<compile_context>
chip_gen: v7x
topology: tpu7x:2x2x1
jax: 0.10.2.dev20260603
libtpu: 0.0.44.dev20260713+nightly
codegen_flags: <defaults>
</compile_context>

<pallas_src>
import functools

import jax
import jax.numpy as jnp
from jax import lax
from jax.experimental import pallas as pl
from jax.experimental.pallas import tpu as pltpu
from jax.experimental.pallas import tpu_sc as plsc

N = 10000
D = 128
E = 160000
NC = 2
NS = 16
NPAD = 10240
RPT = NPAD // NS
EPT = 10240
EPAD = EPT * NS
AB = 80
ANB = EPT // AB
NQ = 2
CB = ANB // NQ
RB = 1000
TROWS = 24000

_mesh = plsc.VectorSubcoreMesh(
    core_axis_name="c", subcore_axis_name="s", num_cores=NC, num_subcores=NS
)


def _deg_sc(dst_t):

    @functools.partial(
        pl.kernel,
        out_type=jax.ShapeDtypeStruct((NC, NPAD), jnp.float32),
        mesh=_mesh,
        scratch_types=[
            pltpu.VMEM_SHARED((NPAD,), jnp.float32),
            pltpu.VMEM((CB, AB), jnp.int32),
            pltpu.VMEM((AB,), jnp.float32),
            pltpu.VMEM((RPT,), jnp.float32),
        ],
    )
    def run(dst_ref, deg_ref, deg_sh, idx_v, ones_v, stage_v):
        c = lax.axis_index("c")
        s = lax.axis_index("s")
        for i in range(AB // 16):
            ones_v[pl.ds(i * 16, 16)] = jnp.ones((16,), jnp.float32)

        def zfill(i, carry):
            stage_v[pl.ds(i * 16, 16)] = jnp.zeros((16,), jnp.float32)
            return carry

        lax.fori_loop(0, RPT // 16, zfill, 0)
        pltpu.sync_copy(stage_v, deg_sh.at[pl.ds(s * RPT, RPT)])
        plsc.subcore_barrier()

        def body(j, carry):
            pltpu.sync_copy(ones_v, deg_sh.at[idx_v.at[j]], add=True)
            return carry

        for q in range(NQ):
            pltpu.sync_copy(dst_ref.at[c, s, pl.ds(q * CB, CB)], idx_v)
            lax.fori_loop(0, CB, body, 0)
        plsc.subcore_barrier()
        pltpu.sync_copy(deg_sh.at[pl.ds(s * RPT, RPT)], stage_v)
        pltpu.sync_copy(stage_v, deg_ref.at[c, pl.ds(s * RPT, RPT)])

    return run(dst_t)


def _agg_sc(src_t, dst_t, h2):

    @functools.partial(
        pl.kernel,
        out_type=jax.ShapeDtypeStruct((NC, NPAD, D), jnp.float32),
        mesh=_mesh,
        scratch_types=[
            pltpu.VMEM_SHARED((NPAD, D), jnp.float32),
            pltpu.VMEM((CB, AB), jnp.int32),
            pltpu.VMEM((CB, AB), jnp.int32),
            pltpu.VMEM((AB, D), jnp.float32),
            pltpu.VMEM((AB, D), jnp.float32),
            pltpu.SemaphoreType.DMA,
            pltpu.SemaphoreType.DMA,
        ],
    )
    def run(src_ref, dst_ref, h2_ref, agg_ref, acc_sh, sidx_v, didx_v,
            rows0, rows1, sem_g0, sem_g1):
        c = lax.axis_index("c")
        s = lax.axis_index("s")

        def zfill(r, carry):
            for k in range(D // 16):
                rows0[r, pl.ds(k * 16, 16)] = jnp.zeros((16,), jnp.float32)
            return carry

        lax.fori_loop(0, AB, zfill, 0)
        for t in range(RPT // AB):
            pltpu.sync_copy(rows0, acc_sh.at[pl.ds(s * RPT + t * AB, AB)])
        plsc.subcore_barrier()

        def body(k, carry):
            m = 2 * k
            d0 = pltpu.async_copy(h2_ref.at[sidx_v.at[m]], rows0, sem_g0)
            d1 = pltpu.async_copy(h2_ref.at[sidx_v.at[m + 1]], rows1, sem_g1)
            d0.wait()
            pltpu.sync_copy(rows0, acc_sh.at[didx_v.at[m]], add=True)
            d1.wait()
            pltpu.sync_copy(rows1, acc_sh.at[didx_v.at[m + 1]], add=True)
            return carry

        for q in range(NQ):
            pltpu.sync_copy(src_ref.at[c, s, pl.ds(q * CB, CB)], sidx_v)
            pltpu.sync_copy(dst_ref.at[c, s, pl.ds(q * CB, CB)], didx_v)
            lax.fori_loop(0, CB // 2, body, 0)
        plsc.subcore_barrier()
        for t in range(RPT // AB):
            pltpu.sync_copy(acc_sh.at[pl.ds(s * RPT + t * AB, AB)], rows0)
            pltpu.sync_copy(rows0, agg_ref.at[c, pl.ds(s * RPT + t * AB, AB)])

    return run(src_t, dst_t, h2)


def _h2_tc(x, W, deg):
    ng = TROWS // RB

    def body(x_ref, w_ref, deg_ref, h2_ref):
        i = pl.program_id(0)
        h = jnp.dot(x_ref[...], w_ref[...], preferred_element_type=jnp.float32)
        dinv = lax.rsqrt(deg_ref[...] + 1.0)
        h2_ref[...] = jnp.where(i < NC * (N // RB), h * dinv[0], 0.0)

    return pl.pallas_call(
        body,
        grid=(ng,),
        in_specs=[
            pl.BlockSpec((RB, D), lambda i: (i % (N // RB), 0)),
            pl.BlockSpec((D, D), lambda i: (0, 0)),
            pl.BlockSpec(
                (1, RB, 1),
                lambda i: (jnp.minimum(i // (N // RB), NC - 1), i % (N // RB), 0),
            ),
        ],
        out_specs=pl.BlockSpec((RB, D), lambda i: (i, 0)),
        out_shape=jax.ShapeDtypeStruct((TROWS, D), jnp.float32),
    )(x, W, deg)


def _final_tc(agg, h2, deg, bias):

    def body(agg_ref, ha_ref, hb_ref, deg_ref, b_ref, oa_ref, ob_ref):
        dinv = lax.rsqrt(deg_ref[...] + 1.0)
        h = jnp.stack([ha_ref[...], hb_ref[...]])
        r = dinv * (agg_ref[...] + h) + b_ref[...][None]
        r = jnp.maximum(r, 0.0)
        oa_ref[...] = r[0]
        ob_ref[...] = r[1]

    return pl.pallas_call(
        body,
        grid=(N // RB,),
        in_specs=[
            pl.BlockSpec((NC, RB, D), lambda i: (0, i, 0)),
            pl.BlockSpec((RB, D), lambda i: (i, 0)),
            pl.BlockSpec((RB, D), lambda i: (i + N // RB, 0)),
            pl.BlockSpec((NC, RB, 1), lambda i: (0, i, 0)),
            pl.BlockSpec((1, D), lambda i: (0, 0)),
        ],
        out_specs=[
            pl.BlockSpec((RB, D), lambda i: (i, 0)),
            pl.BlockSpec((RB, D), lambda i: (i, 0)),
        ],
        out_shape=[
            jax.ShapeDtypeStruct((N, D), jnp.float32),
            jax.ShapeDtypeStruct((N, D), jnp.float32),
        ],
    )(agg, h2, h2, deg, bias)


def kernel(view_a_pos, view_a_neg, view_b_pos, view_b_neg, x, W, b):
    sa = view_a_pos[0].astype(jnp.int32)
    da = view_a_pos[1].astype(jnp.int32)
    sb = view_b_pos[0].astype(jnp.int32)
    db = view_b_pos[1].astype(jnp.int32)
    npd = jnp.arange(EPAD - E, dtype=jnp.int32)
    pad_src = NC * N + npd
    pad_dst_agg = npd % N
    pad_dst_deg = N + (npd % (NPAD - N))
    src_p = jnp.stack(
        [jnp.concatenate([sa, pad_src]), jnp.concatenate([sb + N, pad_src])]
    ).reshape(NC, NS, ANB, AB)
    dst_agg = jnp.stack(
        [jnp.concatenate([da, pad_dst_agg]), jnp.concatenate([db, pad_dst_agg])]
    ).reshape(NC, NS, ANB, AB)
    dst_deg = jnp.stack(
        [jnp.concatenate([da, pad_dst_deg]), jnp.concatenate([db, pad_dst_deg])]
    ).reshape(NC, NS, ANB, AB)

    deg = _deg_sc(dst_deg).reshape(NC, NPAD, 1)
    h2 = _h2_tc(x, W, deg)
    agg = _agg_sc(src_p, dst_agg, h2)
    xa, xb = _final_tc(agg, h2, deg, b.reshape(1, D))
    return (xa, xb)

# --- scband reference (transcript-rebuilt; emitter-appended) ---
"""Pipeline reference for scband-my-grace-26963804685051 (READ-ONLY COPY).

The authoritative reference and input builder live on the scoring server;
editing this copy changes nothing except your own understanding.
"""

import jax, jax.numpy as jnp
import numpy as np

NUM_NODES = 10000
D_FEAT = 128
NUM_EDGES = 160000


def gcn_conv(x, edge_index, W, b):
    # PyG-style GCNConv: add self loops, symmetric normalization, scatter-add aggregation
    src = edge_index[0]
    dst = edge_index[1]
    loop = jnp.arange(NUM_NODES, dtype=src.dtype)
    src = jnp.concatenate([src, loop])
    dst = jnp.concatenate([dst, loop])
    h = x @ W  # linear transform
    deg = jnp.zeros((NUM_NODES,), dtype=x.dtype).at[dst].add(1.0)
    dinv = jnp.where(deg > 0, 1.0 / jnp.sqrt(deg), 0.0)
    norm = dinv[src] * dinv[dst]
    msg = h[src] * norm[:, None]
    out = jnp.zeros_like(h).at[dst].add(msg)
    return out + b


def setup_inputs(seed: int = 0) -> dict:
    key = jax.random.key(seed)
    k1, k2, k3, k4, k5, k6, k7 = jax.random.split(key, 7)
    view_a_pos = jax.random.randint(k1, (2, NUM_EDGES), 0, NUM_NODES, dtype=jnp.int64) if jax.config.jax_enable_x64 else jax.random.randint(k1, (2, NUM_EDGES), 0, NUM_NODES).astype(jnp.int32)
    view_a_neg = jax.random.randint(k2, (2, NUM_EDGES), 0, NUM_NODES).astype(view_a_pos.dtype)
    view_b_pos = jax.random.randint(k3, (2, NUM_EDGES), 0, NUM_NODES).astype(view_a_pos.dtype)
    view_b_neg = jax.random.randint(k4, (2, NUM_EDGES), 0, NUM_NODES).astype(view_a_pos.dtype)
    x = jax.random.normal(k5, (NUM_NODES, D_FEAT), dtype=jnp.float32)
    # Shared GCNConv parameters (same encoder applied to both views)
    W = jax.random.normal(k6, (D_FEAT, D_FEAT), dtype=jnp.float32) * (1.0 / np.sqrt(D_FEAT))
    b = jax.random.normal(k7, (D_FEAT,), dtype=jnp.float32) * 0.01
    return {"view_a_pos": view_a_pos, "view_a_neg": view_a_neg, "view_b_pos": view_b_pos, "view_b_neg": view_b_neg, "x": x, "W": W, "b": b}


def reference(view_a_pos, view_a_neg, view_b_pos, view_b_neg, x, W, b):
    # MyGRACE.forward: encode(view_a_pos, view_b_pos, x) with shared GCNConv + ReLU.
    # Note: in the original, the encode loop re-creates the encoder and applies it to the
    # original x each iteration, so effectively only one GCN layer is applied per view.
    x_a = jax.nn.relu(gcn_conv(x, view_a_pos, W, b))
    x_b = jax.nn.relu(gcn_conv(x, view_b_pos, W, b))
    return (x_a, x_b)

if __name__ == "__main__":
    import jax
    _d = setup_inputs()
    print(jax.jit(kernel)(*tuple(_d.values())))

</pallas_src>

<mosaic_0001>
#map = affine_map<(d0, d1) -> (0, 0, 0, 0)>
#map1 = affine_map<(d0, d1) -> (0, 0)>
module attributes {stable_mosaic.version = 14 : i64} {
  func.func @run(%arg0: i32, %arg1: i32, %arg2: memref<2x16x128x80xi32, #tpu.memory_space<hbm>>, %arg3: memref<2x10240xf32, #tpu.memory_space<hbm>>, %arg4: memref<10240xf32, #tpu.memory_space<vmem_shared>>, %arg5: memref<64x80xi32, #tpu.memory_space<vmem>>, %arg6: memref<80xf32, #tpu.memory_space<vmem>>, %arg7: memref<640xf32, #tpu.memory_space<vmem>>) attributes {dimension_semantics = [#tpu.dimension_semantics<core_parallel>, #tpu.dimension_semantics<subcore_parallel>], iteration_bounds = array<i64: 2, 16>, scalar_prefetch = 0 : i64, scratch_operands = 4 : i64, tpu.core_type = #tpu.core_type<sc_vector_subcore>, window_params = [{transform_indices = #map}, {transform_indices = #map1}]} {
    %broadcast_in_dim3A = arith.constant 1.000000e+00 : f32
    %broadcast_in_dim3A_0 = vector.broadcast %broadcast_in_dim3A : f32 to vector<16xf32>
    %swap3A = arith.constant 0 : index
    %swap3A_1 = tpu.vector_load %arg6[%swap3A] {strides = array<i32>} : memref<80xf32, #tpu.memory_space<vmem>>, vector<16xf32>,
    %swap3A_2 = vector.shape_cast %swap3A_1 : vector<16xf32> to vector<16xf32>
    %swap3A_3 = vector.shape_cast %broadcast_in_dim3A_0 : vector<16xf32> to vector<16xf32>
    tpu.vector_store %arg6[%swap3A], %swap3A_3 {strides = array<i32>} : memref<80xf32, #tpu.memory_space<vmem>>, vector<16xf32>,
    %broadcast_in_dim3A_4 = arith.constant 1.000000e+00 : f32
    %broadcast_in_dim3A_5 = vector.broadcast %broadcast_in_dim3A_4 : f32 to vector<16xf32>
    %swap3A_6 = arith.constant 16 : index
    %swap3A_7 = tpu.vector_load %arg6[%swap3A_6] {strides = array<i32>} : memref<80xf32, #tpu.memory_space<vmem>>, vector<16xf32>,
    %swap3A_8 = vector.shape_cast %swap3A_7 : vector<16xf32> to vector<16xf32>
    %swap3A_9 = vector.shape_cast %broadcast_in_dim3A_5 : vector<16xf32> to vector<16xf32>
    tpu.vector_store %arg6[%swap3A_6], %swap3A_9 {strides = array<i32>} : memref<80xf32, #tpu.memory_space<vmem>>, vector<16xf32>,
    %broadcast_in_dim3A_10 = arith.constant 1.000000e+00 : f32
    %broadcast_in_dim3A_11 = vector.broadcast %broadcast_in_dim3A_10 : f32 to vector<16xf32>
    %swap3A_12 = arith.constant 32 : index
    %swap3A_13 = tpu.vector_load %arg6[%swap3A_12] {strides = array<i32>} : memref<80xf32, #tpu.memory_space<vmem>>, vector<16xf32>,
    %swap3A_14 = vector.shape_cast %swap3A_13 : vector<16xf32> to vector<16xf32>
    %swap3A_15 = vector.shape_cast %broadcast_in_dim3A_11 : vector<16xf32> to vector<16xf32>
    tpu.vector_store %arg6[%swap3A_12], %swap3A_15 {strides = array<i32>} : memref<80xf32, #tpu.memory_space<vmem>>, vector<16xf32>,
    %broadcast_in_dim3A_16 = arith.constant 1.000000e+00 : f32
    %broadcast_in_dim3A_17 = vector.broadcast %broadcast_in_dim3A_16 : f32 to vector<16xf32>
    %swap3A_18 = arith.constant 48 : index
    %swap3A_19 = tpu.vector_load %arg6[%swap3A_18] {strides = array<i32>} : memref<80xf32, #tpu.memory_space<vmem>>, vector<16xf32>,
    %swap3A_20 = vector.shape_cast %swap3A_19 : vector<16xf32> to vector<16xf32>
    %swap3A_21 = vector.shape_cast %broadcast_in_dim3A_17 : vector<16xf32> to vector<16xf32>
    tpu.vector_store %arg6[%swap3A_18], %swap3A_21 {strides = array<i32>} : memref<80xf32, #tpu.memory_space<vmem>>, vector<16xf32>,
    %broadcast_in_dim3A_22 = arith.constant 1.000000e+00 : f32
    %broadcast_in_dim3A_23 = vector.broadcast %broadcast_in_dim3A_22 : f32 to vector<16xf32>
    %swap3A_24 = arith.constant 64 : index
    %swap3A_25 = tpu.vector_load %arg6[%swap3A_24] {strides = array<i32>} : memref<80xf32, #tpu.memory_space<vmem>>, vector<16xf32>,
    %swap3A_26 = vector.shape_cast %swap3A_25 : vector<16xf32> to vector<16xf32>
    %swap3A_27 = vector.shape_cast %broadcast_in_dim3A_23 : vector<16xf32> to vector<16xf32>
    tpu.vector_store %arg6[%swap3A_24], %swap3A_27 {strides = array<i32>} : memref<80xf32, #tpu.memory_space<vmem>>, vector<16xf32>,
    %scan3A = arith.constant 0 : i32
    %scan3A_28 = arith.constant 0 : i32
    %scan3A_29 = arith.constant 40 : i32
    %scan3A_30 = arith.addi %scan3A_28, %scan3A_29 : i32
    %scan3A_31 = arith.constant 1 : i32
    scf.for %scan3A_51 = %scan3A_28 to %scan3A_30 step %scan3A_31  : i32 {
      %broadcast_in_dim3A_52 = arith.constant 0.000000e+00 : f32
      %broadcast_in_dim3A_53 = vector.broadcast %broadcast_in_dim3A_52 : f32 to vector<16xf32>
      %mul3A_54 = arith.constant 16 : i32
      %mul3A_55 = arith.muli %scan3A_51, %mul3A_54 : i32
      %swap3A_56 = arith.index_cast %mul3A_55 : i32 to index
      %swap3A_57 = tpu.vector_load %arg7[%swap3A_56] {strides = array<i32>} : memref<640xf32, #tpu.memory_space<vmem>>, vector<16xf32>,
      %swap3A_58 = vector.shape_cast %swap3A_57 : vector<16xf32> to vector<16xf32>
      %swap3A_59 = vector.shape_cast %broadcast_in_dim3A_53 : vector<16xf32> to vector<16xf32>
      tpu.vector_store %arg7[%swap3A_56], %swap3A_59 {strides = array<i32>} : memref<640xf32, #tpu.memory_space<vmem>>, vector<16xf32>,
    }
    %scan3A_32 = arith.constant 40 : i32
    %mul3A = arith.constant 640 : i32
    %mul3A_33 = arith.muli %arg1, %mul3A : i32
    "tpu.region"() ({
      %run_scoped3A = tpu.sem_alloc : memref<!tpu.dma_semaphore, #tpu.memory_space<semaphore_mem>>
      %dma_start3A = tpu.memref_slice %arg4[%mul3A_33] : memref<10240xf32, #tpu.memory_space<vmem_shared>> -> memref<640xf32, #tpu.memory_space<vmem_shared>>
      %dma_start3A_51 = tpu.memref_slice %arg4[%mul3A_33] : memref<10240xf32, #tpu.memory_space<vmem_shared>> -> memref<640xf32, #tpu.memory_space<vmem_shared>>
      tpu.enqueue_dma source(%arg7 : memref<640xf32, #tpu.memory_space<vmem>>) target(%dma_start3A_51 : memref<640xf32, #tpu.memory_space<vmem_shared>>) target_semaphore(%run_scoped3A : memref<!tpu.dma_semaphore, #tpu.memory_space<semaphore_mem>>)
      %dma_wait3A = tpu.memref_slice %arg4[%mul3A_33] : memref<10240xf32, #tpu.memory_space<vmem_shared>> -> memref<640xf32, #tpu.memory_space<vmem_shared>>
      %dma_wait3A_52 = tpu.memref_slice %arg4[%mul3A_33] : memref<10240xf32, #tpu.memory_space<vmem_shared>> -> memref<640xf32, #tpu.memory_space<vmem_shared>>
      tpu.wait_dma2 semaphore(%run_scoped3A : memref<!tpu.dma_semaphore, #tpu.memory_space<semaphore_mem>>) src(%arg7 : memref<640xf32, #tpu.memory_space<vmem>>) dst(%dma_wait3A_52 : memref<640xf32, #tpu.memory_space<vmem_shared>>)
      tpu.yield
    }) : () -> ()
    %barrier3A = arith.constant 0 : index
    tpu.barrier barrier_id(%barrier3A)
    "tpu.region"() ({
      %run_scoped3A = tpu.sem_alloc : memref<!tpu.dma_semaphore, #tpu.memory_space<semaphore_mem>>
      %dma_start3A = arith.constant 0 : i32
      %dma_start3A_51 = arith.constant 0 : i32
      %dma_start3A_52 = tpu.memref_slice %arg2[%arg0, %arg1, %dma_start3A, %dma_start3A_51] : memref<2x16x128x80xi32, #tpu.memory_space<hbm>> -> memref<1x1x64x80xi32, #tpu.memory_space<hbm>>
      %dma_start3A_53 = tpu.memref_squeeze %dma_start3A_52 : memref<1x1x64x80xi32, #tpu.memory_space<hbm>> -> memref<64x80xi32, #tpu.memory_space<hbm>>
      %dma_start3A_54 = arith.constant 0 : i32
      %dma_start3A_55 = arith.constant 0 : i32
      %dma_start3A_56 = tpu.memref_slice %arg2[%arg0, %arg1, %dma_start3A_54, %dma_start3A_55] : memref<2x16x128x80xi32, #tpu.memory_space<hbm>> -> memref<1x1x64x80xi32, #tpu.memory_space<hbm>>
      %dma_start3A_57 = tpu.memref_squeeze %dma_start3A_56 : memref<1x1x64x80xi32, #tpu.memory_space<hbm>> -> memref<64x80xi32, #tpu.memory_space<hbm>>
      tpu.enqueue_dma source(%dma_start3A_57 : memref<64x80xi32, #tpu.memory_space<hbm>>) target(%arg5 : memref<64x80xi32, #tpu.memory_space<vmem>>) target_semaphore(%run_scoped3A : memref<!tpu.dma_semaphore, #tpu.memory_space<semaphore_mem>>)
      %dma_wait3A = arith.constant 0 : i32
      %dma_wait3A_58 = arith.constant 0 : i32
      %dma_wait3A_59 = tpu.memref_slice %arg2[%arg0, %arg1, %dma_wait3A, %dma_wait3A_58] : memref<2x16x128x80xi32, #tpu.memory_space<hbm>> -> memref<1x1x64x80xi32, #tpu.memory_space<hbm>>
      %dma_wait3A_60 = tpu.memref_squeeze %dma_wait3A_59 : memref<1x1x64x80xi32, #tpu.memory_space<hbm>> -> memref<64x80xi32, #tpu.memory_space<hbm>>
      %dma_wait3A_61 = arith.constant 0 : i32
      %dma_wait3A_62 = arith.constant 0 : i32
      %dma_wait3A_63 = tpu.memref_slice %arg2[%arg0, %arg1, %dma_wait3A_61, %dma_wait3A_62] : memref<2x16x128x80xi32, #tpu.memory_space<hbm>> -> memref<1x1x64x80xi32, #tpu.memory_space<hbm>>
      %dma_wait3A_64 = tpu.memref_squeeze %dma_wait3A_63 : memref<1x1x64x80xi32, #tpu.memory_space<hbm>> -> memref<64x80xi32, #tpu.memory_space<hbm>>
      tpu.wait_dma2 semaphore(%run_scoped3A : memref<!tpu.dma_semaphore, #tpu.memory_space<semaphore_mem>>) src(%dma_wait3A_64 : memref<64x80xi32, #tpu.memory_space<hbm>>) dst(%arg5 : memref<64x80xi32, #tpu.memory_space<vmem>>)
      tpu.yield
    }) : () -> ()
    %scan3A_34 = arith.constant 0 : i32
    %scan3A_35 = arith.constant 0 : i32
    %scan3A_36 = arith.constant 64 : i32
    %scan3A_37 = arith.addi %scan3A_35, %scan3A_36 : i32
    %scan3A_38 = arith.constant 1 : i32
    scf.for %scan3A_51 = %scan3A_35 to %scan3A_37 step %scan3A_38  : i32 {
      "tpu.region"() ({
        %run_scoped3A = tpu.sem_alloc : memref<!tpu.dma_semaphore, #tpu.memory_space<semaphore_mem>>
        %dma_start3A = arith.constant 0 : i32
        %dma_start3A_52 = tpu.memref_slice %arg5[%scan3A_51, %dma_start3A] : memref<64x80xi32, #tpu.memory_space<vmem>> -> memref<1x80xi32, #tpu.memory_space<vmem>>
        %dma_start3A_53 = tpu.memref_squeeze %dma_start3A_52 : memref<1x80xi32, #tpu.memory_space<vmem>> -> memref<80xi32, #tpu.memory_space<vmem>>
        %dma_start3A_54 = arith.constant 0 : i32
        %dma_start3A_55 = tpu.memref_slice %arg4[%dma_start3A_54] : memref<10240xf32, #tpu.memory_space<vmem_shared>> -> memref<10240xf32, #tpu.memory_space<vmem_shared>>
        tpu.enqueue_indirect_dma source(%arg6 : memref<80xf32, #tpu.memory_space<vmem>>) target(%dma_start3A_55 : memref<10240xf32, #tpu.memory_space<vmem_shared>>) offsets(%dma_start3A_53 : memref<80xi32, #tpu.memory_space<vmem>>) semaphore(%run_scoped3A : memref<!tpu.dma_semaphore, #tpu.memory_space<semaphore_mem>>) {add = true}
        %dma_wait3A = arith.constant 0 : i32
        %dma_wait3A_56 = tpu.memref_slice %arg5[%scan3A_51, %dma_wait3A] : memref<64x80xi32, #tpu.memory_space<vmem>> -> memref<1x80xi32, #tpu.memory_space<vmem>>
        %dma_wait3A_57 = tpu.memref_squeeze %dma_wait3A_56 : memref<1x80xi32, #tpu.memory_space<vmem>> -> memref<80xi32, #tpu.memory_space<vmem>>
        %dma_wait3A_58 = arith.constant 0 : i32
        %dma_wait3A_59 = tpu.memref_slice %arg4[%dma_wait3A_58] : memref<10240xf32, #tpu.memory_space<vmem_shared>> -> memref<10240xf32, #tpu.memory_space<vmem_shared>>
        tpu.wait_indirect_dma semaphore(%run_scoped3A : memref<!tpu.dma_semaphore, #tpu.memory_space<semaphore_mem>>) src(%arg6 : memref<80xf32, #tpu.memory_space<vmem>>) dst(%dma_wait3A_59 : memref<10240xf32, #tpu.memory_space<vmem_shared>>)
        tpu.yield
      }) : () -> ()
    }
    %scan3A_39 = arith.constant 64 : i32
    "tpu.region"() ({
      %run_scoped3A = tpu.sem_alloc : memref<!tpu.dma_semaphore, #tpu.memory_space<semaphore_mem>>
      %dma_start3A = arith.constant 64 : i32
      %dma_start3A_51 = arith.constant 0 : i32
      %dma_start3A_52 = tpu.memref_slice %arg2[%arg0, %arg1, %dma_start3A, %dma_start3A_51] : memref<2x16x128x80xi32, #tpu.memory_space<hbm>> -> memref<1x1x64x80xi32, #tpu.memory_space<hbm>>
      %dma_start3A_53 = tpu.memref_squeeze %dma_start3A_52 : memref<1x1x64x80xi32, #tpu.memory_space<hbm>> -> memref<64x80xi32, #tpu.memory_space<hbm>>
      %dma_start3A_54 = arith.constant 64 : i32
      %dma_start3A_55 = arith.constant 0 : i32
      %dma_start3A_56 = tpu.memref_slice %arg2[%arg0, %arg1, %dma_start3A_54, %dma_start3A_55] : memref<2x16x128x80xi32, #tpu.memory_space<hbm>> -> memref<1x1x64x80xi32, #tpu.memory_space<hbm>>
      %dma_start3A_57 = tpu.memref_squeeze %dma_start3A_56 : memref<1x1x64x80xi32, #tpu.memory_space<hbm>> -> memref<64x80xi32, #tpu.memory_space<hbm>>
      tpu.enqueue_dma source(%dma_start3A_57 : memref<64x80xi32, #tpu.memory_space<hbm>>) target(%arg5 : memref<64x80xi32, #tpu.memory_space<vmem>>) target_semaphore(%run_scoped3A : memref<!tpu.dma_semaphore, #tpu.memory_space<semaphore_mem>>)
      %dma_wait3A = arith.constant 64 : i32
      %dma_wait3A_58 = arith.constant 0 : i32
      %dma_wait3A_59 = tpu.memref_slice %arg2[%arg0, %arg1, %dma_wait3A, %dma_wait3A_58] : memref<2x16x128x80xi32, #tpu.memory_space<hbm>> -> memref<1x1x64x80xi32, #tpu.memory_space<hbm>>
      %dma_wait3A_60 = tpu.memref_squeeze %dma_wait3A_59 : memref<1x1x64x80xi32, #tpu.memory_space<hbm>> -> memref<64x80xi32, #tpu.memory_space<hbm>>
      %dma_wait3A_61 = arith.constant 64 : i32
      %dma_wait3A_62 = arith.constant 0 : i32
      %dma_wait3A_63 = tpu.memref_slice %arg2[%arg0, %arg1, %dma_wait3A_61, %dma_wait3A_62] : memref<2x16x128x80xi32, #tpu.memory_space<hbm>> -> memref<1x1x64x80xi32, #tpu.memory_space<hbm>>
      %dma_wait3A_64 = tpu.memref_squeeze %dma_wait3A_63 : memref<1x1x64x80xi32, #tpu.memory_space<hbm>> -> memref<64x80xi32, #tpu.memory_space<hbm>>
      tpu.wait_dma2 semaphore(%run_scoped3A : memref<!tpu.dma_semaphore, #tpu.memory_space<semaphore_mem>>) src(%dma_wait3A_64 : memref<64x80xi32, #tpu.memory_space<hbm>>) dst(%arg5 : memref<64x80xi32, #tpu.memory_space<vmem>>)
      tpu.yield
    }) : () -> ()
    %scan3A_40 = arith.constant 0 : i32
    %scan3A_41 = arith.constant 0 : i32
    %scan3A_42 = arith.constant 64 : i32
    %scan3A_43 = arith.addi %scan3A_41, %scan3A_42 : i32
    %scan3A_44 = arith.constant 1 : i32
    scf.for %scan3A_51 = %scan3A_41 to %scan3A_43 step %scan3A_44  : i32 {
      "tpu.region"() ({
        %run_scoped3A = tpu.sem_alloc : memref<!tpu.dma_semaphore, #tpu.memory_space<semaphore_mem>>
        %dma_start3A = arith.constant 0 : i32
        %dma_start3A_52 = tpu.memref_slice %arg5[%scan3A_51, %dma_start3A] : memref<64x80xi32, #tpu.memory_space<vmem>> -> memref<1x80xi32, #tpu.memory_space<vmem>>
        %dma_start3A_53 = tpu.memref_squeeze %dma_start3A_52 : memref<1x80xi32, #tpu.memory_space<vmem>> -> memref<80xi32, #tpu.memory_space<vmem>>
        %dma_start3A_54 = arith.constant 0 : i32
        %dma_start3A_55 = tpu.memref_slice %arg4[%dma_start3A_54] : memref<10240xf32, #tpu.memory_space<vmem_shared>> -> memref<10240xf32, #tpu.memory_space<vmem_shared>>
        tpu.enqueue_indirect_dma source(%arg6 : memref<80xf32, #tpu.memory_space<vmem>>) target(%dma_start3A_55 : memref<10240xf32, #tpu.memory_space<vmem_shared>>) offsets(%dma_start3A_53 : memref<80xi32, #tpu.memory_space<vmem>>) semaphore(%run_scoped3A : memref<!tpu.dma_semaphore, #tpu.memory_space<semaphore_mem>>) {add = true}
        %dma_wait3A = arith.constant 0 : i32
        %dma_wait3A_56 = tpu.memref_slice %arg5[%scan3A_51, %dma_wait3A] : memref<64x80xi32, #tpu.memory_space<vmem>> -> memref<1x80xi32, #tpu.memory_space<vmem>>
        %dma_wait3A_57 = tpu.memref_squeeze %dma_wait3A_56 : memref<1x80xi32, #tpu.memory_space<vmem>> -> memref<80xi32, #tpu.memory_space<vmem>>
        %dma_wait3A_58 = arith.constant 0 : i32
        %dma_wait3A_59 = tpu.memref_slice %arg4[%dma_wait3A_58] : memref<10240xf32, #tpu.memory_space<vmem_shared>> -> memref<10240xf32, #tpu.memory_space<vmem_shared>>
        tpu.wait_indirect_dma semaphore(%run_scoped3A : memref<!tpu.dma_semaphore, #tpu.memory_space<semaphore_mem>>) src(%arg6 : memref<80xf32, #tpu.memory_space<vmem>>) dst(%dma_wait3A_59 : memref<10240xf32, #tpu.memory_space<vmem_shared>>)
        tpu.yield
      }) : () -> ()
    }
    %scan3A_45 = arith.constant 64 : i32
    %barrier3A_46 = arith.constant 0 : index
    tpu.barrier barrier_id(%barrier3A_46)
    %mul3A_47 = arith.constant 640 : i32
    %mul3A_48 = arith.muli %arg1, %mul3A_47 : i32
    "tpu.region"() ({
      %run_scoped3A = tpu.sem_alloc : memref<!tpu.dma_semaphore, #tpu.memory_space<semaphore_mem>>
      %dma_start3A = tpu.memref_slice %arg4[%mul3A_48] : memref<10240xf32, #tpu.memory_space<vmem_shared>> -> memref<640xf32, #tpu.memory_space<vmem_shared>>
      %dma_start3A_51 = tpu.memref_slice %arg4[%mul3A_48] : memref<10240xf32, #tpu.memory_space<vmem_shared>> -> memref<640xf32, #tpu.memory_space<vmem_shared>>
      tpu.enqueue_dma source(%dma_start3A_51 : memref<640xf32, #tpu.memory_space<vmem_shared>>) target(%arg7 : memref<640xf32, #tpu.memory_space<vmem>>) target_semaphore(%run_scoped3A : memref<!tpu.dma_semaphore, #tpu.memory_space<semaphore_mem>>)
      %dma_wait3A = tpu.memref_slice %arg4[%mul3A_48] : memref<10240xf32, #tpu.memory_space<vmem_shared>> -> memref<640xf32, #tpu.memory_space<vmem_shared>>
      %dma_wait3A_52 = tpu.memref_slice %arg4[%mul3A_48] : memref<10240xf32, #tpu.memory_space<vmem_shared>> -> memref<640xf32, #tpu.memory_space<vmem_shared>>
      tpu.wait_dma2 semaphore(%run_scoped3A : memref<!tpu.dma_semaphore, #tpu.memory_space<semaphore_mem>>) src(%dma_wait3A_52 : memref<640xf32, #tpu.memory_space<vmem_shared>>) dst(%arg7 : memref<640xf32, #tpu.memory_space<vmem>>)
      tpu.yield
    }) : () -> ()
    %mul3A_49 = arith.constant 640 : i32
    %mul3A_50 = arith.muli %arg1, %mul3A_49 : i32
    "tpu.region"() ({
      %run_scoped3A = tpu.sem_alloc : memref<!tpu.dma_semaphore, #tpu.memory_space<semaphore_mem>>
      %dma_start3A = tpu.memref_slice %arg3[%arg0, %mul3A_50] : memref<2x10240xf32, #tpu.memory_space<hbm>> -> memref<1x640xf32, #tpu.memory_space<hbm>>
      %dma_start3A_51 = tpu.memref_squeeze %dma_start3A : memref<1x640xf32, #tpu.memory_space<hbm>> -> memref<640xf32, #tpu.memory_space<hbm>>
      %dma_start3A_52 = tpu.memref_slice %arg3[%arg0, %mul3A_50] : memref<2x10240xf32, #tpu.memory_space<hbm>> -> memref<1x640xf32, #tpu.memory_space<hbm>>
      %dma_start3A_53 = tpu.memref_squeeze %dma_start3A_52 : memref<1x640xf32, #tpu.memory_space<hbm>> -> memref<640xf32, #tpu.memory_space<hbm>>
      tpu.enqueue_dma source(%arg7 : memref<640xf32, #tpu.memory_space<vmem>>) target(%dma_start3A_53 : memref<640xf32, #tpu.memory_space<hbm>>) target_semaphore(%run_scoped3A : memref<!tpu.dma_semaphore, #tpu.memory_space<semaphore_mem>>)
      %dma_wait3A = tpu.memref_slice %arg3[%arg0, %mul3A_50] : memref<2x10240xf32, #tpu.memory_space<hbm>> -> memref<1x640xf32, #tpu.memory_space<hbm>>
      %dma_wait3A_54 = tpu.memref_squeeze %dma_wait3A : memref<1x640xf32, #tpu.memory_space<hbm>> -> memref<640xf32, #tpu.memory_space<hbm>>
      %dma_wait3A_55 = tpu.memref_slice %arg3[%arg0, %mul3A_50] : memref<2x10240xf32, #tpu.memory_space<hbm>> -> memref<1x640xf32, #tpu.memory_space<hbm>>
      %dma_wait3A_56 = tpu.memref_squeeze %dma_wait3A_55 : memref<1x640xf32, #tpu.memory_space<hbm>> -> memref<640xf32, #tpu.memory_space<hbm>>
      tpu.wait_dma2 semaphore(%run_scoped3A : memref<!tpu.dma_semaphore, #tpu.memory_space<semaphore_mem>>) src(%arg7 : memref<640xf32, #tpu.memory_space<vmem>>) dst(%dma_wait3A_56 : memref<640xf32, #tpu.memory_space<hbm>>)
      tpu.yield
    }) : () -> ()
    return
  }
}

#map = affine_map<(d0, d1) -> (0, 0, 0, 0)>
#map1 = affine_map<(d0, d1) -> (0, 0)>
#map2 = affine_map<(d0, d1) -> (0, 0, 0)>
module attributes {stable_mosaic.version = 14 : i64} {
  func.func @run(%arg0: i32, %arg1: i32, %arg2: memref<2x16x128x80xi32, #tpu.memory_space<hbm>>, %arg3: memref<2x16x128x80xi32, #tpu.memory_space<hbm>>, %arg4: memref<24000x128xf32, #tpu.memory_space<hbm>>, %arg5: memref<2x10240x128xf32, #tpu.memory_space<hbm>>, %arg6: memref<10240x128xf32, #tpu.memory_space<vmem_shared>>, %arg7: memref<64x80xi32, #tpu.memory_space<vmem>>, %arg8: memref<64x80xi32, #tpu.memory_space<vmem>>, %arg9: memref<80x128xf32, #tpu.memory_space<vmem>>, %arg10: memref<80x128xf32, #tpu.memory_space<vmem>>, %arg11: memref<!tpu.dma_semaphore, #tpu.memory_space<semaphore_mem>>, %arg12: memref<!tpu.dma_semaphore, #tpu.memory_space<semaphore_mem>>) attributes {dimension_semantics = [#tpu.dimension_semantics<core_parallel>, #tpu.dimension_semantics<subcore_parallel>], iteration_bounds = array<i64: 2, 16>, scalar_prefetch = 0 : i64, scratch_operands = 7 : i64, tpu.core_type = #tpu.core_type<sc_vector_subcore>, window_params = [{transform_indices = #map}, {transform_indices = #map}, {transform_indices = #map1}, {transform_indices = #map2}]} {
    %scan3A = arith.constant 0 : i32
    %scan3A_0 = arith.constant 0 : i32
    %scan3A_1 = arith.constant 80 : i32
    %scan3A_2 = arith.addi %scan3A_0, %scan3A_1 : i32
    %scan3A_3 = arith.constant 1 : i32
    scf.for %scan3A_112 = %scan3A_0 to %scan3A_2 step %scan3A_3  : i32 {
      %broadcast_in_dim3A = arith.constant 0.000000e+00 : f32
      %broadcast_in_dim3A_113 = vector.broadcast %broadcast_in_dim3A : f32 to vector<16xf32>
      %swap3A = arith.index_cast %scan3A_112 : i32 to index
      %swap3A_114 = arith.constant 0 : index
      %swap3A_115 = tpu.vector_load %arg9[%swap3A, %swap3A_114] {strides = array<i32>} : memref<80x128xf32, #tpu.memory_space<vmem>>, vector<1x16xf32>,
      %swap3A_116 = vector.shape_cast %swap3A_115 : vector<1x16xf32> to vector<16xf32>
      %swap3A_117 = vector.shape_cast %broadcast_in_dim3A_113 : vector<16xf32> to vector<1x16xf32>
      tpu.vector_store %arg9[%swap3A, %swap3A_114], %swap3A_117 {strides = array<i32>} : memref<80x128xf32, #tpu.memory_space<vmem>>, vector<1x16xf32>,
      %broadcast_in_dim3A_118 = arith.constant 0.000000e+00 : f32
      %broadcast_in_dim3A_119 = vector.broadcast %broadcast_in_dim3A_118 : f32 to vector<16xf32>
      %swap3A_120 = arith.index_cast %scan3A_112 : i32 to index
      %swap3A_121 = arith.constant 16 : index
      %swap3A_122 = tpu.vector_load %arg9[%swap3A_120, %swap3A_121] {strides = array<i32>} : memref<80x128xf32, #tpu.memory_space<vmem>>, vector<1x16xf32>,
      %swap3A_123 = vector.shape_cast %swap3A_122 : vector<1x16xf32> to vector<16xf32>
      %swap3A_124 = vector.shape_cast %broadcast_in_dim3A_119 : vector<16xf32> to vector<1x16xf32>
      tpu.vector_store %arg9[%swap3A_120, %swap3A_121], %swap3A_124 {strides = array<i32>} : memref<80x128xf32, #tpu.memory_space<vmem>>, vector<1x16xf32>,
      %broadcast_in_dim3A_125 = arith.constant 0.000000e+00 : f32
      %broadcast_in_dim3A_126 = vector.broadcast %broadcast_in_dim3A_125 : f32 to vector<16xf32>
      %swap3A_127 = arith.index_cast %scan3A_112 : i32 to index
      %swap3A_128 = arith.constant 32 : index
      %swap3A_129 = tpu.vector_load %arg9[%swap3A_127, %swap3A_128] {strides = array<i32>} : memref<80x128xf32, #tpu.memory_space<vmem>>, vector<1x16xf32>,
      %swap3A_130 = vector.shape_cast %swap3A_129 : vector<1x16xf32> to vector<16xf32>
      %swap3A_131 = vector.shape_cast %broadcast_in_dim3A_126 : vector<16xf32> to vector<1x16xf32>
      tpu.vector_store %arg9[%swap3A_127, %swap3A_128], %swap3A_131 {strides = array<i32>} : memref<80x128xf32, #tpu.memory_space<vmem>>, vector<1x16xf32>,
      %broadcast_in_dim3A_132 = arith.constant 0.000000e+00 : f32
      %broadcast_in_dim3A_133 = vector.broadcast %broadcast_in_dim3A_132 : f32 to vector<16xf32>
      %swap3A_134 = arith.index_cast %scan3A_112 : i32 to index
      %swap3A_135 = arith.constant 48 : index
      %swap3A_136 = tpu.vector_load %arg9[%swap3A_134, %swap3A_135] {strides = array<i32>} : memref<80x128xf32, #tpu.memory_space<vmem>>, vector<1x16xf32>,
      %swap3A_137 = vector.shape_cast %swap3A_136 : vector<1x16xf32> to vector<16xf32>
      %swap3A_138 = vector.shape_cast %broadcast_in_dim3A_133 : vector<16xf32> to vector<1x16xf32>
      tpu.vector_store %arg9[%swap3A_134, %swap3A_135], %swap3A_138 {strides = array<i32>} : memref<80x128xf32, #tpu.memory_space<vmem>>, vector<1x16xf32>,
      %broadcast_in_dim3A_139 = arith.constant 0.000000e+00 : f32
      %broadcast_in_dim3A_140 = vector.broadcast %broadcast_in_dim3A_139 : f32 to vector<16xf32>
      %swap3A_141 = arith.index_cast %scan3A_112 : i32 to index
      %swap3A_142 = arith.constant 64 : index
      %swap3A_143 = tpu.vector_load %arg9[%swap3A_141, %swap3A_142] {strides = array<i32>} : memref<80x128xf32, #tpu.memory_space<vmem>>, vector<1x16xf32>,
      %swap3A_144 = vector.shape_cast %swap3A_143 : vector<1x16xf32> to vector<16xf32>
      %swap3A_145 = vector.shape_cast %broadcast_in_dim3A_140 : vector<16xf32> to vector<1x16xf32>
      tpu.vector_store %arg9[%swap3A_141, %swap3A_142], %swap3A_145 {strides = array<i32>} : memref<80x128xf32, #tpu.memory_space<vmem>>, vector<1x16xf32>,
      %broadcast_in_dim3A_146 = arith.constant 0.000000e+00 : f32
      %broadcast_in_dim3A_147 = vector.broadcast %broadcast_in_dim3A_146 : f32 to vector<16xf32>
      %swap3A_148 = arith.index_cast %scan3A_112 : i32 to index
      %swap3A_149 = arith.constant 80 : index
      %swap3A_150 = tpu.vector_load %arg9[%swap3A_148, %swap3A_149] {strides = array<i32>} : memref<80x128xf32, #tpu.memory_space<vmem>>, vector<1x16xf32>,
      %swap3A_151 = vector.shape_cast %swap3A_150 : vector<1x16xf32> to vector<16xf32>
      %swap3A_152 = vector.shape_cast %broadcast_in_dim3A_147 : vector<16xf32> to vector<1x16xf32>
      tpu.vector_store %arg9[%swap3A_148, %swap3A_149], %swap3A_152 {strides = array<i32>} : memref<80x128xf32, #tpu.memory_space<vmem>>, vector<1x16xf32>,
      %broadcast_in_dim3A_153 = arith.constant 0.000000e+00 : f32
      %broadcast_in_dim3A_154 = vector.broadcast %broadcast_in_dim3A_153 : f32 to vector<16xf32>
      %swap3A_155 = arith.index_cast %scan3A_112 : i32 to index
      %swap3A_156 = arith.constant 96 : index
      %swap3A_157 = tpu.vector_load %arg9[%swap3A_155, %swap3A_156] {strides = array<i32>} : memref<80x128xf32, #tpu.memory_space<vmem>>, vector<1x16xf32>,
      %swap3A_158 = vector.shape_cast %swap3A_157 : vector<1x16xf32> to vector<16xf32>
      %swap3A_159 = vector.shape_cast %broadcast_in_dim3A_154 : vector<16xf32> to vector<1x16xf32>
      tpu.vector_store %arg9[%swap3A_155, %swap3A_156], %swap3A_159 {strides = array<i32>} : memref<80x128xf32, #tpu.memory_space<vmem>>, vector<1x16xf32>,
      %broadcast_in_dim3A_160 = arith.constant 0.000000e+00 : f32
      %broadcast_in_dim3A_161 = vector.broadcast %broadcast_in_dim3A_160 : f32 to vector<16xf32>
      %swap3A_162 = arith.index_cast %scan3A_112 : i32 to index
      %swap3A_163 = arith.constant 112 : index
      %swap3A_164 = tpu.vector_load %arg9[%swap3A_162, %swap3A_163] {strides = array<i32>} : memref<80x128xf32, #tpu.memory_space<vmem>>, vector<1x16xf32>,
      %swap3A_165 = vector.shape_cast %swap3A_164 : vector<1x16xf32> to vector<16xf32>
      %swap3A_166 = vector.shape_cast %broadcast_in_dim3A_161 : vector<16xf32> to vector<1x16xf32>
      tpu.vector_store %arg9[%swap3A_162, %swap3A_163], %swap3A_166 {strides = array<i32>} : memref<80x128xf32, #tpu.memory_space<vmem>>, vector<1x16xf32>,
    }
    %scan3A_4 = arith.constant 80 : i32
    %mul3A = arith.constant 640 : i32
    %mul3A_5 = arith.muli %arg1, %mul3A : i32
    %add3A = arith.constant 0 : i32
    %add3A_6 = arith.addi %mul3A_5, %add3A : i32
    "tpu.region"() ({
      %run_scoped3A = tpu.sem_alloc : memref<!tpu.dma_semaphore, #tpu.memory_space<semaphore_mem>>
      %dma_start3A = arith.constant 0 : i32
      %dma_start3A_112 = tpu.memref_slice %arg6[%add3A_6, %dma_start3A] : memref<10240x128xf32, #tpu.memory_space<vmem_shared>> -> memref<80x128xf32, #tpu.memory_space<vmem_shared>>
      %dma_start3A_113 = arith.constant 0 : i32
      %dma_start3A_114 = tpu.memref_slice %arg6[%add3A_6, %dma_start3A_113] : memref<10240x128xf32, #tpu.memory_space<vmem_shared>> -> memref<80x128xf32, #tpu.memory_space<vmem_shared>>
      tpu.enqueue_dma source(%arg9 : memref<80x128xf32, #tpu.memory_space<vmem>>) target(%dma_start3A_114 : memref<80x128xf32, #tpu.memory_space<vmem_shared>>) target_semaphore(%run_scoped3A : memref<!tpu.dma_semaphore, #tpu.memory_space<semaphore_mem>>)
      %dma_wait3A = arith.constant 0 : i32
      %dma_wait3A_115 = tpu.memref_slice %arg6[%add3A_6, %dma_wait3A] : memref<10240x128xf32, #tpu.memory_space<vmem_shared>> -> memref<80x128xf32, #tpu.memory_space<vmem_shared>>
      %dma_wait3A_116 = arith.constant 0 : i32
      %dma_wait3A_117 = tpu.memref_slice %arg6[%add3A_6, %dma_wait3A_116] : memref<10240x128xf32, #tpu.memory_space<vmem_shared>> -> memref<80x128xf32, #tpu.memory_space<vmem_shared>>
      tpu.wait_dma2 semaphore(%run_scoped3A : memref<!tpu.dma_semaphore, #tpu.memory_space<semaphore_mem>>) src(%arg9 : memref<80x128xf32, #tpu.memory_space<vmem>>) dst(%dma_wait3A_117 : memref<80x128xf32, #tpu.memory_space<vmem_shared>>)
      tpu.yield
    }) : () -> ()
    %mul3A_7 = arith.constant 640 : i32
    %mul3A_8 = arith.muli %arg1, %mul3A_7 : i32
    %add3A_9 = arith.constant 80 : i32
    %add3A_10 = arith.addi %mul3A_8, %add3A_9 : i32
    "tpu.region"() ({
      %run_scoped3A = tpu.sem_alloc : memref<!tpu.dma_semaphore, #tpu.memory_space<semaphore_mem>>
      %dma_start3A = arith.constant 0 : i32
      %dma_start3A_112 = tpu.memref_slice %arg6[%add3A_10, %dma_start3A] : memref<10240x128xf32, #tpu.memory_space<vmem_shared>> -> memref<80x128xf32, #tpu.memory_space<vmem_shared>>
      %dma_start3A_113 = arith.constant 0 : i32
      %dma_start3A_114 = tpu.memref_slice %arg6[%add3A_10, %dma_start3A_113] : memref<10240x128xf32, #tpu.memory_space<vmem_shared>> -> memref<80x128xf32, #tpu.memory_space<vmem_shared>>
      tpu.enqueue_dma source(%arg9 : memref<80x128xf32, #tpu.memory_space<vmem>>) target(%dma_start3A_114 : memref<80x128xf32, #tpu.memory_space<vmem_shared>>) target_semaphore(%run_scoped3A : memref<!tpu.dma_semaphore, #tpu.memory_space<semaphore_mem>>)
      %dma_wait3A = arith.constant 0 : i32
      %dma_wait3A_115 = tpu.memref_slice %arg6[%add3A_10, %dma_wait3A] : memref<10240x128xf32, #tpu.memory_space<vmem_shared>> -> memref<80x128xf32, #tpu.memory_space<vmem_shared>>
      %dma_wait3A_116 = arith.constant 0 : i32
      %dma_wait3A_117 = tpu.memref_slice %arg6[%add3A_10, %dma_wait3A_116] : memref<10240x128xf32, #tpu.memory_space<vmem_shared>> -> memref<80x128xf32, #tpu.memory_space<vmem_shared>>
      tpu.wait_dma2 semaphore(%run_scoped3A : memref<!tpu.dma_semaphore, #tpu.memory_space<semaphore_mem>>) src(%arg9 : memref<80x128xf32, #tpu.memory_space<vmem>>) dst(%dma_wait3A_117 : memref<80x128xf32, #tpu.memory_space<vmem_shared>>)
      tpu.yield
    }) : () -> ()
    %mul3A_11 = arith.constant 640 : i32
    %mul3A_12 = arith.muli %arg1, %mul3A_11 : i32
    %add3A_13 = arith.constant 160 : i32
    %add3A_14 = arith.addi %mul3A_12, %add3A_13 : i32
    "tpu.region"() ({
      %run_scoped3A = tpu.sem_alloc : memref<!tpu.dma_semaphore, #tpu.memory_space<semaphore_mem>>
      %dma_start3A = arith.constant 0 : i32
      %dma_start3A_112 = tpu.memref_slice %arg6[%add3A_14, %dma_start3A] : memref<10240x128xf32, #tpu.memory_space<vmem_shared>> -> memref<80x128xf32, #tpu.memory_space<vmem_shared>>
      %dma_start3A_113 = arith.constant 0 : i32
      %dma_start3A_114 = tpu.memref_slice %arg6[%add3A_14, %dma_start3A_113] : memref<10240x128xf32, #tpu.memory_space<vmem_shared>> -> memref<80x128xf32, #tpu.memory_space<vmem_shared>>
      tpu.enqueue_dma source(%arg9 : memref<80x128xf32, #tpu.memory_space<vmem>>) target(%dma_start3A_114 : memref<80x128xf32, #tpu.memory_space<vmem_shared>>) target_semaphore(%run_scoped3A : memref<!tpu.dma_semaphore, #tpu.memory_space<semaphore_mem>>)
      %dma_wait3A = arith.constant 0 : i32
      %dma_wait3A_115 = tpu.memref_slice %arg6[%add3A_14, %dma_wait3A] : memref<10240x128xf32, #tpu.memory_space<vmem_shared>> -> memref<80x128xf32, #tpu.memory_space<vmem_shared>>
      %dma_wait3A_116 = arith.constant 0 : i32
      %dma_wait3A_117 = tpu.memref_slice %arg6[%add3A_14, %dma_wait3A_116] : memref<10240x128xf32, #tpu.memory_space<vmem_shared>> -> memref<80x128xf32, #tpu.memory_space<vmem_shared>>
      tpu.wait_dma2 semaphore(%run_scoped3A : memref<!tpu.dma_semaphore, #tpu.memory_space<semaphore_mem>>) src(%arg9 : memref<80x128xf32, #tpu.memory_space<vmem>>) dst(%dma_wait3A_117 : memref<80x128xf32, #tpu.memory_space<vmem_shared>>)
      tpu.yield
    }) : () -> ()
    %mul3A_15 = arith.constant 640 : i32
    %mul3A_16 = arith.muli %arg1, %mul3A_15 : i32
    %add3A_17 = arith.constant 240 : i32
    %add3A_18 = arith.addi %mul3A_16, %add3A_17 : i32
    "tpu.region"() ({
      %run_scoped3A = tpu.sem_alloc : memref<!tpu.dma_semaphore, #tpu.memory_space<semaphore_mem>>
      %dma_start3A = arith.constant 0 : i32
      %dma_start3A_112 = tpu.memref_slice %arg6[%add3A_18, %dma_start3A] : memref<10240x128xf32, #tpu.memory_space<vmem_shared>> -> memref<80x128xf32, #tpu.memory_space<vmem_shared>>
      %dma_start3A_113 = arith.constant 0 : i32
      %dma_start3A_114 = tpu.memref_slice %arg6[%add3A_18, %dma_start3A_113] : memref<10240x128xf32, #tpu.memory_space<vmem_shared>> -> memref<80x128xf32, #tpu.memory_space<vmem_shared>>
      tpu.enqueue_dma source(%arg9 : memref<80x128xf32, #tpu.memory_space<vmem>>) target(%dma_start3A_114 : memref<80x128xf32, #tpu.memory_space<vmem_shared>>) target_semaphore(%run_scoped3A : memref<!tpu.dma_semaphore, #tpu.memory_space<semaphore_mem>>)
      %dma_wait3A = arith.constant 0 : i32
      %dma_wait3A_115 = tpu.memref_slice %arg6[%add3A_18, %dma_wait3A] : memref<10240x128xf32, #tpu.memory_space<vmem_shared>> -> memref<80x128xf32, #tpu.memory_space<vmem_shared>>
      %dma_wait3A_116 = arith.constant 0 : i32
      %dma_wait3A_117 = tpu.memref_slice %arg6[%add3A_18, %dma_wait3A_116] : memref<10240x128xf32, #tpu.memory_space<vmem_shared>> -> memref<80x128xf32, #tpu.memory_space<vmem_shared>>
      tpu.wait_dma2 semaphore(%run_scoped3A : memref<!tpu.dma_semaphore, #tpu.memory_space<semaphore_mem>>) src(%arg9 : memref<80x128xf32, #tpu.memory_space<vmem>>) dst(%dma_wait3A_117 : memref<80x128xf32, #tpu.memory_space<vmem_shared>>)
      tpu.yield
    }) : () -> ()
    %mul3A_19 = arith.constant 640 : i32
    %mul3A_20 = arith.muli %arg1, %mul3A_19 : i32
    %add3A_21 = arith.constant 320 : i32
    %add3A_22 = arith.addi %mul3A_20, %add3A_21 : i32
    "tpu.region"() ({
      %run_scoped3A = tpu.sem_alloc : memref<!tpu.dma_semaphore, #tpu.memory_space<semaphore_mem>>
      %dma_start3A = arith.constant 0 : i32
      %dma_start3A_112 = tpu.memref_slice %arg6[%add3A_22, %dma_start3A] : memref<10240x128xf32, #tpu.memory_space<vmem_shared>> -> memref<80x128xf32, #tpu.memory_space<vmem_shared>>
      %dma_start3A_113 = arith.constant 0 : i32
      %dma_start3A_114 = tpu.memref_slice %arg6[%add3A_22, %dma_start3A_113] : memref<10240x128xf32, #tpu.memory_space<vmem_shared>> -> memref<80x128xf32, #tpu.memory_space<vmem_shared>>
      tpu.enqueue_dma source(%arg9 : memref<80x128xf32, #tpu.memory_space<vmem>>) target(%dma_start3A_114 : memref<80x128xf32, #tpu.memory_space<vmem_shared>>) target_semaphore(%run_scoped3A : memref<!tpu.dma_semaphore, #tpu.memory_space<semaphore_mem>>)
      %dma_wait3A = arith.constant 0 : i32
      %dma_wait3A_115 = tpu.memref_slice %arg6[%add3A_22, %dma_wait3A] : memref<10240x128xf32, #tpu.memory_space<vmem_shared>> -> memref<80x128xf32, #tpu.memory_space<vmem_shared>>
      %dma_wait3A_116 = arith.constant 0 : i32
      %dma_wait3A_117 = tpu.memref_slice %arg6[%add3A_22, %dma_wait3A_116] : memref<10240x128xf32, #tpu.memory_space<vmem_shared>> -> memref<80x128xf32, #tpu.memory_space<vmem_shared>>
      tpu.wait_dma2 semaphore(%run_scoped3A : memref<!tpu.dma_semaphore, #tpu.memory_space<semaphore_mem>>) src(%arg9 : memref<80x128xf32, #tpu.memory_space<vmem>>) dst(%dma_wait3A_117 : memref<80x128xf32, #tpu.memory_space<vmem_shared>>)
      tpu.yield
    }) : () -> ()
    %mul3A_23 = arith.constant 640 : i32
    %mul3A_24 = arith.muli %arg1, %mul3A_23 : i32
    %add3A_25 = arith.constant 400 : i32
    %add3A_26 = arith.addi %mul3A_24, %add3A_25 : i32
    "tpu.region"() ({
      %run_scoped3A = tpu.sem_alloc : memref<!tpu.dma_semaphore, #tpu.memory_space<semaphore_mem>>
      %dma_start3A = arith.constant 0 : i32
      %dma_start3A_112 = tpu.memref_slice %arg6[%add3A_26, %dma_start3A] : memref<10240x128xf32, #tpu.memory_space<vmem_shared>> -> memref<80x128xf32, #tpu.memory_space<vmem_shared>>
      %dma_start3A_113 = arith.constant 0 : i32
      %dma_start3A_114 = tpu.memref_slice %arg6[%add3A_26, %dma_start3A_113] : memref<10240x128xf32, #tpu.memory_space<vmem_shared>> -> memref<80x128xf32, #tpu.memory_space<vmem_shared>>
      tpu.enqueue_dma source(%arg9 : memref<80x128xf32, #tpu.memory_space<vmem>>) target(%dma_start3A_114 : memref<80x128xf32, #tpu.memory_space<vmem_shared>>) target_semaphore(%run_scoped3A : memref<!tpu.dma_semaphore, #tpu.memory_space<semaphore_mem>>)
      %dma_wait3A = arith.constant 0 : i32
      %dma_wait3A_115 = tpu.memref_slice %arg6[%add3A_26, %dma_wait3A] : memref<10240x128xf32, #tpu.memory_space<vmem_shared>> -> memref<80x128xf32, #tpu.memory_space<vmem_shared>>
      %dma_wait3A_116 = arith.constant 0 : i32
      %dma_wait3A_117 = tpu.memref_slice %arg6[%add3A_26, %dma_wait3A_116] : memref<10240x128xf32, #tpu.memory_space<vmem_shared>> -> memref<80x128xf32, #tpu.memory_space<vmem_shared>>
      tpu.wait_dma2 semaphore(%run_scoped3A : memref<!tpu.dma_semaphore, #tpu.memory_space<semaphore_mem>>) src(%arg9 : memref<80x128xf32, #tpu.memory_space<vmem>>) dst(%dma_wait3A_117 : memref<80x128xf32, #tpu.memory_space<vmem_shared>>)
      tpu.yield
    }) : () -> ()
    %mul3A_27 = arith.constant 640 : i32
    %mul3A_28 = arith.muli %arg1, %mul3A_27 : i32
    %add3A_29 = arith.constant 480 : i32
    %add3A_30 = arith.addi %mul3A_28, %add3A_29 : i32
    "tpu.region"() ({
      %run_scoped3A = tpu.sem_alloc : memref<!tpu.dma_semaphore, #tpu.memory_space<semaphore_mem>>
      %dma_start3A = arith.constant 0 : i32
      %dma_start3A_112 = tpu.memref_slice %arg6[%add3A_30, %dma_start3A] : memref<10240x128xf32, #tpu.memory_space<vmem_shared>> -> memref<80x128xf32, #tpu.memory_space<vmem_shared>>
      %dma_start3A_113 = arith.constant 0 : i32
      %dma_start3A_114 = tpu.memref_slice %arg6[%add3A_30, %dma_start3A_113] : memref<10240x128xf32, #tpu.memory_space<vmem_shared>> -> memref<80x128xf32, #tpu.memory_space<vmem_shared>>
      tpu.enqueue_dma source(%arg9 : memref<80x128xf32, #tpu.memory_space<vmem>>) target(%dma_start3A_114 : memref<80x128xf32, #tpu.memory_space<vmem_shared>>) target_semaphore(%run_scoped3A : memref<!tpu.dma_semaphore, #tpu.memory_space<semaphore_mem>>)
      %dma_wait3A = arith.constant 0 : i32
      %dma_wait3A_115 = tpu.memref_slice %arg6[%add3A_30, %dma_wait3A] : memref<10240x128xf32, #tpu.memory_space<vmem_shared>> -> memref<80x128xf32, #tpu.memory_space<vmem_shared>>
      %dma_wait3A_116 = arith.constant 0 : i32
      %dma_wait3A_117 = tpu.memref_slice %arg6[%add3A_30, %dma_wait3A_116] : memref<10240x128xf32, #tpu.memory_space<vmem_shared>> -> memref<80x128xf32, #tpu.memory_space<vmem_shared>>
      tpu.wait_dma2 semaphore(%run_scoped3A : memref<!tpu.dma_semaphore, #tpu.memory_space<semaphore_mem>>) src(%arg9 : memref<80x128xf32, #tpu.memory_space<vmem>>) dst(%dma_wait3A_117 : memref<80x128xf32, #tpu.memory_space<vmem_shared>>)
      tpu.yield
    }) : () -> ()
    %mul3A_31 = arith.constant 640 : i32
    %mul3A_32 = arith.muli %arg1, %mul3A_31 : i32
    %add3A_33 = arith.constant 560 : i32
    %add3A_34 = arith.addi %mul3A_32, %add3A_33 : i32
    "tpu.region"() ({
      %run_scoped3A = tpu.sem_alloc : memref<!tpu.dma_semaphore, #tpu.memory_space<semaphore_mem>>
      %dma_start3A = arith.constant 0 : i32
      %dma_start3A_112 = tpu.memref_slice %arg6[%add3A_34, %dma_start3A] : memref<10240x128xf32, #tpu.memory_space<vmem_shared>> -> memref<80x128xf32, #tpu.memory_space<vmem_shared>>
      %dma_start3A_113 = arith.constant 0 : i32
      %dma_start3A_114 = tpu.memref_slice %arg6[%add3A_34, %dma_start3A_113] : memref<10240x128xf32, #tpu.memory_space<vmem_shared>> -> memref<80x128xf32, #tpu.memory_space<vmem_shared>>
      tpu.enqueue_dma source(%arg9 : memref<80x128xf32, #tpu.memory_space<vmem>>) target(%dma_start3A_114 : memref<80x128xf32, #tpu.memory_space<vmem_shared>>) target_semaphore(%run_scoped3A : memref<!tpu.dma_semaphore, #tpu.memory_space<semaphore_mem>>)
      %dma_wait3A = arith.constant 0 : i32
      %dma_wait3A_115 = tpu.memref_slice %arg6[%add3A_34, %dma_wait3A] : memref<10240x128xf32, #tpu.memory_space<vmem_shared>> -> memref<80x128xf32, #tpu.memory_space<vmem_shared>>
      %dma_wait3A_116 = arith.constant 0 : i32
      %dma_wait3A_117 = tpu.memref_slice %arg6[%add3A_34, %dma_wait3A_116] : memref<10240x128xf32, #tpu.memory_space<vmem_shared>> -> memref<80x128xf32, #tpu.memory_space<vmem_shared>>
      tpu.wait_dma2 semaphore(%run_scoped3A : memref<!tpu.dma_semaphore, #tpu.memory_space<semaphore_mem>>) src(%arg9 : memref<80x128xf32, #tpu.memory_space<vmem>>) dst(%dma_wait3A_117 : memref<80x128xf32, #tpu.memory_space<vmem_shared>>)
      tpu.yield
    }) : () -> ()
    %barrier3A = arith.constant 0 : index
    tpu.barrier barrier_id(%barrier3A)
    "tpu.region"() ({
      %run_scoped3A = tpu.sem_alloc : memref<!tpu.dma_semaphore, #tpu.memory_space<semaphore_mem>>
      %dma_start3A = arith.constant 0 : i32
      %dma_start3A_112 = arith.constant 0 : i32
      %dma_start3A_113 = tpu.memref_slice %arg2[%arg0, %arg1, %dma_start3A, %dma_start3A_112] : memref<2x16x128x80xi32, #tpu.memory_space<hbm>> -> memref<1x1x64x80xi32, #tpu.memory_space<hbm>>
      %dma_start3A_114 = tpu.memref_squeeze %dma_start3A_113 : memref<1x1x64x80xi32, #tpu.memory_space<hbm>> -> memref<64x80xi32, #tpu.memory_space<hbm>>
      %dma_start3A_115 = arith.constant 0 : i32
      %dma_start3A_116 = arith.constant 0 : i32
      %dma_start3A_117 = tpu.memref_slice %arg2[%arg0, %arg1, %dma_start3A_115, %dma_start3A_116] : memref<2x16x128x80xi32, #tpu.memory_space<hbm>> -> memref<1x1x64x80xi32, #tpu.memory_space<hbm>>
      %dma_start3A_118 = tpu.memref_squeeze %dma_start3A_117 : memref<1x1x64x80xi32, #tpu.memory_space<hbm>> -> memref<64x80xi32, #tpu.memory_space<hbm>>
      tpu.enqueue_dma source(%dma_start3A_118 : memref<64x80xi32, #tpu.memory_space<hbm>>) target(%arg7 : memref<64x80xi32, #tpu.memory_space<vmem>>) target_semaphore(%run_scoped3A : memref<!tpu.dma_semaphore, #tpu.memory_space<semaphore_mem>>)
      %dma_wait3A = arith.constant 0 : i32
      %dma_wait3A_119 = arith.constant 0 : i32
      %dma_wait3A_120 = tpu.memref_slice %arg2[%arg0, %arg1, %dma_wait3A, %dma_wait3A_119] : memref<2x16x128x80xi32, #tpu.memory_space<hbm>> -> memref<1x1x64x80xi32, #tpu.memory_space<hbm>>
      %dma_wait3A_121 = tpu.memref_squeeze %dma_wait3A_120 : memref<1x1x64x80xi32, #tpu.memory_space<hbm>> -> memref<64x80xi32, #tpu.memory_space<hbm>>
      %dma_wait3A_122 = arith.constant 0 : i32
      %dma_wait3A_123 = arith.constant 0 : i32
      %dma_wait3A_124 = tpu.memref_slice %arg2[%arg0, %arg1, %dma_wait3A_122, %dma_wait3A_123] : memref<2x16x128x80xi32, #tpu.memory_space<hbm>> -> memref<1x1x64x80xi32, #tpu.memory_space<hbm>>
      %dma_wait3A_125 = tpu.memref_squeeze %dma_wait3A_124 : memref<1x1x64x80xi32, #tpu.memory_space<hbm>> -> memref<64x80xi32, #tpu.memory_space<hbm>>
      tpu.wait_dma2 semaphore(%run_scoped3A : memref<!tpu.dma_semaphore, #tpu.memory_space<semaphore_mem>>) src(%dma_wait3A_125 : memref<64x80xi32, #tpu.memory_space<hbm>>) dst(%arg7 : memref<64x80xi32, #tpu.memory_space<vmem>>)
      tpu.yield
    }) : () -> ()
    "tpu.region"() ({
      %run_scoped3A = tpu.sem_alloc : memref<!tpu.dma_semaphore, #tpu.memory_space<semaphore_mem>>
      %dma_start3A = arith.constant 0 : i32
      %dma_start3A_112 = arith.constant 0 : i32
      %dma_start3A_113 = tpu.memref_slice %arg3[%arg0, %arg1, %dma_start3A, %dma_start3A_112] : memref<2x16x128x80xi32, #tpu.memory_space<hbm>> -> memref<1x1x64x80xi32, #tpu.memory_space<hbm>>
      %dma_start3A_114 = tpu.memref_squeeze %dma_start3A_113 : memref<1x1x64x80xi32, #tpu.memory_space<hbm>> -> memref<64x80xi32, #tpu.memory_space<hbm>>
      %dma_start3A_115 = arith.constant 0 : i32
      %dma_start3A_116 = arith.constant 0 : i32
      %dma_start3A_117 = tpu.memref_slice %arg3[%arg0, %arg1, %dma_start3A_115, %dma_start3A_116] : memref<2x16x128x80xi32, #tpu.memory_space<hbm>> -> memref<1x1x64x80xi32, #tpu.memory_space<hbm>>
      %dma_start3A_118 = tpu.memref_squeeze %dma_start3A_117 : memref<1x1x64x80xi32, #tpu.memory_space<hbm>> -> memref<64x80xi32, #tpu.memory_space<hbm>>
      tpu.enqueue_dma source(%dma_start3A_118 : memref<64x80xi32, #tpu.memory_space<hbm>>) target(%arg8 : memref<64x80xi32, #tpu.memory_space<vmem>>) target_semaphore(%run_scoped3A : memref<!tpu.dma_semaphore, #tpu.memory_space<semaphore_mem>>)
      %dma_wait3A = arith.constant 0 : i32
      %dma_wait3A_119 = arith.constant 0 : i32
      %dma_wait3A_120 = tpu.memref_slice %arg3[%arg0, %arg1, %dma_wait3A, %dma_wait3A_119] : memref<2x16x128x80xi32, #tpu.memory_space<hbm>> -> memref<1x1x64x80xi32, #tpu.memory_space<hbm>>
      %dma_wait3A_121 = tpu.memref_squeeze %dma_wait3A_120 : memref<1x1x64x80xi32, #tpu.memory_space<hbm>> -> memref<64x80xi32, #tpu.memory_space<hbm>>
      %dma_wait3A_122 = arith.constant 0 : i32
      %dma_wait3A_123 = arith.constant 0 : i32
      %dma_wait3A_124 = tpu.memref_slice %arg3[%arg0, %arg1, %dma_wait3A_122, %dma_wait3A_123] : memref<2x16x128x80xi32, #tpu.memory_space<hbm>> -> memref<1x1x64x80xi32, #tpu.memory_space<hbm>>
      %dma_wait3A_125 = tpu.memref_squeeze %dma_wait3A_124 : memref<1x1x64x80xi32, #tpu.memory_space<hbm>> -> memref<64x80xi32, #tpu.memory_space<hbm>>
      tpu.wait_dma2 semaphore(%run_scoped3A : memref<!tpu.dma_semaphore, #tpu.memory_space<semaphore_mem>>) src(%dma_wait3A_125 : memref<64x80xi32, #tpu.memory_space<hbm>>) dst(%arg8 : memref<64x80xi32, #tpu.memory_space<vmem>>)
      tpu.yield
    }) : () -> ()
    %scan3A_35 = arith.constant 0 : i32
    %scan3A_36 = arith.constant 0 : i32
    %scan3A_37 = arith.constant 32 : i32
    %scan3A_38 = arith.addi %scan3A_36, %scan3A_37 : i32
    %scan3A_39 = arith.constant 1 : i32
    scf.for %scan3A_112 = %scan3A_36 to %scan3A_38 step %scan3A_39  : i32 {
      %mul3A_113 = arith.constant 2 : i32
      %mul3A_114 = arith.muli %mul3A_113, %scan3A_112 : i32
      %dma_start3A = arith.constant 0 : i32
      %dma_start3A_115 = tpu.memref_slice %arg7[%mul3A_114, %dma_start3A] : memref<64x80xi32, #tpu.memory_space<vmem>> -> memref<1x80xi32, #tpu.memory_space<vmem>>
      %dma_start3A_116 = tpu.memref_squeeze %dma_start3A_115 : memref<1x80xi32, #tpu.memory_space<vmem>> -> memref<80xi32, #tpu.memory_space<vmem>>
      %dma_start3A_117 = arith.constant 0 : i32
      %dma_start3A_118 = arith.constant 0 : i32
      %dma_start3A_119 = tpu.memref_slice %arg4[%dma_start3A_117, %dma_start3A_118] : memref<24000x128xf32, #tpu.memory_space<hbm>> -> memref<24000x128xf32, #tpu.memory_space<hbm>>
      tpu.enqueue_indirect_dma source(%dma_start3A_119 : memref<24000x128xf32, #tpu.memory_space<hbm>>) target(%arg9 : memref<80x128xf32, #tpu.memory_space<vmem>>) offsets(%dma_start3A_116 : memref<80xi32, #tpu.memory_space<vmem>>) semaphore(%arg11 : memref<!tpu.dma_semaphore, #tpu.memory_space<semaphore_mem>>)
      %add3A_120 = arith.constant 1 : i32
      %add3A_121 = arith.addi %mul3A_114, %add3A_120 : i32
      %dma_start3A_122 = arith.constant 0 : i32
      %dma_start3A_123 = tpu.memref_slice %arg7[%add3A_121, %dma_start3A_122] : memref<64x80xi32, #tpu.memory_space<vmem>> -> memref<1x80xi32, #tpu.memory_space<vmem>>
      %dma_start3A_124 = tpu.memref_squeeze %dma_start3A_123 : memref<1x80xi32, #tpu.memory_space<vmem>> -> memref<80xi32, #tpu.memory_space<vmem>>
      %dma_start3A_125 = arith.constant 0 : i32
      %dma_start3A_126 = arith.constant 0 : i32
      %dma_start3A_127 = tpu.memref_slice %arg4[%dma_start3A_125, %dma_start3A_126] : memref<24000x128xf32, #tpu.memory_space<hbm>> -> memref<24000x128xf32, #tpu.memory_space<hbm>>
      tpu.enqueue_indirect_dma source(%dma_start3A_127 : memref<24000x128xf32, #tpu.memory_space<hbm>>) target(%arg10 : memref<80x128xf32, #tpu.memory_space<vmem>>) offsets(%dma_start3A_124 : memref<80xi32, #tpu.memory_space<vmem>>) semaphore(%arg12 : memref<!tpu.dma_semaphore, #tpu.memory_space<semaphore_mem>>)
      %dma_wait3A = arith.constant 0 : i32
      %dma_wait3A_128 = tpu.memref_slice %arg7[%mul3A_114, %dma_wait3A] : memref<64x80xi32, #tpu.memory_space<vmem>> -> memref<1x80xi32, #tpu.memory_space<vmem>>
      %dma_wait3A_129 = tpu.memref_squeeze %dma_wait3A_128 : memref<1x80xi32, #tpu.memory_space<vmem>> -> memref<80xi32, #tpu.memory_space<vmem>>
      %dma_wait3A_130 = arith.constant 0 : i32
      %dma_wait3A_131 = arith.constant 0 : i32
      %dma_wait3A_132 = tpu.memref_slice %arg4[%dma_wait3A_130, %dma_wait3A_131] : memref<24000x128xf32, #tpu.memory_space<hbm>> -> memref<24000x128xf32, #tpu.memory_space<hbm>>
      tpu.wait_indirect_dma semaphore(%arg11 : memref<!tpu.dma_semaphore, #tpu.memory_space<semaphore_mem>>) src(%dma_wait3A_132 : memref<24000x128xf32, #tpu.memory_space<hbm>>) dst(%arg9 : memref<80x128xf32, #tpu.memory_space<vmem>>)
      "tpu.region"() ({
        %run_scoped3A = tpu.sem_alloc : memref<!tpu.dma_semaphore, #tpu.memory_space<semaphore_mem>>
        %dma_start3A_141 = arith.constant 0 : i32
        %dma_start3A_142 = tpu.memref_slice %arg8[%mul3A_114, %dma_start3A_141] : memref<64x80xi32, #tpu.memory_space<vmem>> -> memref<1x80xi32, #tpu.memory_space<vmem>>
        %dma_start3A_143 = tpu.memref_squeeze %dma_start3A_142 : memref<1x80xi32, #tpu.memory_space<vmem>> -> memref<80xi32, #tpu.memory_space<vmem>>
        %dma_start3A_144 = arith.constant 0 : i32
        %dma_start3A_145 = arith.constant 0 : i32
        %dma_start3A_146 = tpu.memref_slice %arg6[%dma_start3A_144, %dma_start3A_145] : memref<10240x128xf32, #tpu.memory_space<vmem_shared>> -> memref<10240x128xf32, #tpu.memory_space<vmem_shared>>
        tpu.enqueue_indirect_dma source(%arg9 : memref<80x128xf32, #tpu.memory_space<vmem>>) target(%dma_start3A_146 : memref<10240x128xf32, #tpu.memory_space<vmem_shared>>) offsets(%dma_start3A_143 : memref<80xi32, #tpu.memory_space<vmem>>) semaphore(%run_scoped3A : memref<!tpu.dma_semaphore, #tpu.memory_space<semaphore_mem>>) {add = true}
        %dma_wait3A_147 = arith.constant 0 : i32
        %dma_wait3A_148 = tpu.memref_slice %arg8[%mul3A_114, %dma_wait3A_147] : memref<64x80xi32, #tpu.memory_space<vmem>> -> memref<1x80xi32, #tpu.memory_space<vmem>>
        %dma_wait3A_149 = tpu.memref_squeeze %dma_wait3A_148 : memref<1x80xi32, #tpu.memory_space<vmem>> -> memref<80xi32, #tpu.memory_space<vmem>>
        %dma_wait3A_150 = arith.constant 0 : i32
        %dma_wait3A_151 = arith.constant 0 : i32
        %dma_wait3A_152 = tpu.memref_slice %arg6[%dma_wait3A_150, %dma_wait3A_151] : memref<10240x128xf32, #tpu.memory_space<vmem_shared>> -> memref<10240x128xf32, #tpu.memory_space<vmem_shared>>
        tpu.wait_indirect_dma semaphore(%run_scoped3A : memref<!tpu.dma_semaphore, #tpu.memory_space<semaphore_mem>>) src(%arg9 : memref<80x128xf32, #tpu.memory_space<vmem>>) dst(%dma_wait3A_152 : memref<10240x128xf32, #tpu.memory_space<vmem_shared>>)
        tpu.yield
      }) : () -> ()
      %dma_wait3A_133 = arith.constant 0 : i32
      %dma_wait3A_134 = tpu.memref_slice %arg7[%add3A_121, %dma_wait3A_133] : memref<64x80xi32, #tpu.memory_space<vmem>> -> memref<1x80xi32, #tpu.memory_space<vmem>>
      %dma_wait3A_135 = tpu.memref_squeeze %dma_wait3A_134 : memref<1x80xi32, #tpu.memory_space<vmem>> -> memref<80xi32, #tpu.memory_space<vmem>>
      %dma_wait3A_136 = arith.constant 0 : i32
      %dma_wait3A_137 = arith.constant 0 : i32
      %dma_wait3A_138 = tpu.memref_slice %arg4[%dma_wait3A_136, %dma_wait3A_137] : memref<24000x128xf32, #tpu.memory_space<hbm>> -> memref<24000x128xf32, #tpu.memory_space<hbm>>
      tpu.wait_indirect_dma semaphore(%arg12 : memref<!tpu.dma_semaphore, #tpu.memory_space<semaphore_mem>>) src(%dma_wait3A_138 : memref<24000x128xf32, #tpu.memory_space<hbm>>) dst(%arg10 : memref<80x128xf32, #tpu.memory_space<vmem>>)
      %add3A_139 = arith.constant 1 : i32
      %add3A_140 = arith.addi %mul3A_114, %add3A_139 : i32
      "tpu.region"() ({
        %run_scoped3A = tpu.sem_alloc : memref<!tpu.dma_semaphore, #tpu.memory_space<semaphore_mem>>
        %dma_start3A_141 = arith.constant 0 : i32
        %dma_start3A_142 = tpu.memref_slice %arg8[%add3A_140, %dma_start3A_141] : memref<64x80xi32, #tpu.memory_space<vmem>> -> memref<1x80xi32, #tpu.memory_space<vmem>>
        %dma_start3A_143 = tpu.memref_squeeze %dma_start3A_142 : memref<1x80xi32, #tpu.memory_space<vmem>> -> memref<80xi32, #tpu.memory_space<vmem>>
        %dma_start3A_144 = arith.constant 0 : i32
        %dma_start3A_145 = arith.constant 0 : i32
        %dma_start3A_146 = tpu.memref_slice %arg6[%dma_start3A_144, %dma_start3A_145] : memref<10240x128xf32, #tpu.memory_space<vmem_shared>> -> memref<10240x128xf32, #tpu.memory_space<vmem_shared>>
        tpu.enqueue_indirect_dma source(%arg10 : memref<80x128xf32, #tpu.memory_space<vmem>>) target(%dma_start3A_146 : memref<10240x128xf32, #tpu.memory_space<vmem_shared>>) offsets(%dma_start3A_143 : memref<80xi32, #tpu.memory_space<vmem>>) semaphore(%run_scoped3A : memref<!tpu.dma_semaphore, #tpu.memory_space<semaphore_mem>>) {add = true}
        %dma_wait3A_147 = arith.constant 0 : i32
        %dma_wait3A_148 = tpu.memref_slice %arg8[%add3A_140, %dma_wait3A_147] : memref<64x80xi32, #tpu.memory_space<vmem>> -> memref<1x80xi32, #tpu.memory_space<vmem>>
        %dma_wait3A_149 = tpu.memref_squeeze %dma_wait3A_148 : memref<1x80xi32, #tpu.memory_space<vmem>> -> memref<80xi32, #tpu.memory_space<vmem>>
        %dma_wait3A_150 = arith.constant 0 : i32
        %dma_wait3A_151 = arith.constant 0 : i32
        %dma_wait3A_152 = tpu.memref_slice %arg6[%dma_wait3A_150, %dma_wait3A_151] : memref<10240x128xf32, #tpu.memory_space<vmem_shared>> -> memref<10240x128xf32, #tpu.memory_space<vmem_shared>>
        tpu.wait_indirect_dma semaphore(%run_scoped3A : memref<!tpu.dma_semaphore, #tpu.memory_space<semaphore_mem>>) src(%arg10 : memref<80x128xf32, #tpu.memory_space<vmem>>) dst(%dma_wait3A_152 : memref<10240x128xf32, #tpu.memory_space<vmem_shared>>)
        tpu.yield
      }) : () -> ()
    }
    %scan3A_40 = arith.constant 32 : i32
    "tpu.region"() ({
      %run_scoped3A = tpu.sem_alloc : memref<!tpu.dma_semaphore, #tpu.memory_space<semaphore_mem>>
      %dma_start3A = arith.constant 64 : i32
      %dma_start3A_112 = arith.constant 0 : i32
      %dma_start3A_113 = tpu.memref_slice %arg2[%arg0, %arg1, %dma_start3A, %dma_start3A_112] : memref<2x16x128x80xi32, #tpu.memory_space<hbm>> -> memref<1x1x64x80xi32, #tpu.memory_space<hbm>>
      %dma_start3A_114 = tpu.memref_squeeze %dma_start3A_113 : memref<1x1x64x80xi32, #tpu.memory_space<hbm>> -> memref<64x80xi32, #tpu.memory_space<hbm>>
      %dma_start3A_115 = arith.constant 64 : i32
      %dma_start3A_116 = arith.constant 0 : i32
      %dma_start3A_117 = tpu.memref_slice %arg2[%arg0, %arg1, %dma_start3A_115, %dma_start3A_116] : memref<2x16x128x80xi32, #tpu.memory_space<hbm>> -> memref<1x1x64x80xi32, #tpu.memory_space<hbm>>
      %dma_start3A_118 = tpu.memref_squeeze %dma_start3A_117 : memref<1x1x64x80xi32, #tpu.memory_space<hbm>> -> memref<64x80xi32, #tpu.memory_space<hbm>>
      tpu.enqueue_dma source(%dma_start3A_118 : memref<64x80xi32, #tpu.memory_space<hbm>>) target(%arg7 : memref<64x80xi32, #tpu.memory_space<vmem>>) target_semaphore(%run_scoped3A : memref<!tpu.dma_semaphore, #tpu.memory_space<semaphore_mem>>)
      %dma_wait3A = arith.constant 64 : i32
      %dma_wait3A_119 = arith.constant 0 : i32
      %dma_wait3A_120 = tpu.memref_slice %arg2[%arg0, %arg1, %dma_wait3A, %dma_wait3A_119] : memref<2x16x128x80xi32, #tpu.memory_space<hbm>> -> memref<1x1x64x80xi32, #tpu.memory_space<hbm>>
      %dma_wait3A_121 = tpu.memref_squeeze %dma_wait3A_120 : memref<1x1x64x80xi32, #tpu.memory_space<hbm>> -> memref<64x80xi32, #tpu.memory_space<hbm>>
      %dma_wait3A_122 = arith.constant 64 : i32
      %dma_wait3A_123 = arith.constant 0 : i32
      %dma_wait3A_124 = tpu.memref_slice %arg2[%arg0, %arg1, %dma_wait3A_122, %dma_wait3A_123] : memref<2x16x128x80xi32, #tpu.memory_space<hbm>> -> memref<1x1x64x80xi32, #tpu.memory_space<hbm>>
      %dma_wait3A_125 = tpu.memref_squeeze %dma_wait3A_124 : memref<1x1x64x80xi32, #tpu.memory_space<hbm>> -> memref<64x80xi32, #tpu.memory_space<hbm>>
      tpu.wait_dma2 semaphore(%run_scoped3A : memref<!tpu.dma_semaphore, #tpu.memory_space<semaphore_mem>>) src(%dma_wait3A_125 : memref<64x80xi32, #tpu.memory_space<hbm>>) dst(%arg7 : memref<64x80xi32, #tpu.memory_space<vmem>>)
      tpu.yield
    }) : () -> ()
    "tpu.region"() ({
      %run_scoped3A = tpu.sem_alloc : memref<!tpu.dma_semaphore, #tpu.memory_space<semaphore_mem>>
      %dma_start3A = arith.constant 64 : i32
      %dma_start3A_112 = arith.constant 0 : i32
      %dma_start3A_113 = tpu.memref_slice %arg3[%arg0, %arg1, %dma_start3A, %dma_start3A_112] : memref<2x16x128x80xi32, #tpu.memory_space<hbm>> -> memref<1x1x64x80xi32, #tpu.memory_space<hbm>>
      %dma_start3A_114 = tpu.memref_squeeze %dma_start3A_113 : memref<1x1x64x80xi32, #tpu.memory_space<hbm>> -> memref<64x80xi32, #tpu.memory_space<hbm>>
      %dma_start3A_115 = arith.constant 64 : i32
      %dma_start3A_116 = arith.constant 0 : i32
      %dma_start3A_117 = tpu.memref_slice %arg3[%arg0, %arg1, %dma_start3A_115, %dma_start3A_116] : memref<2x16x128x80xi32, #tpu.memory_space<hbm>> -> memref<1x1x64x80xi32, #tpu.memory_space<hbm>>
      %dma_start3A_118 = tpu.memref_squeeze %dma_start3A_117 : memref<1x1x64x80xi32, #tpu.memory_space<hbm>> -> memref<64x80xi32, #tpu.memory_space<hbm>>
      tpu.enqueue_dma source(%dma_start3A_118 : memref<64x80xi32, #tpu.memory_space<hbm>>) target(%arg8 : memref<64x80xi32, #tpu.memory_space<vmem>>) target_semaphore(%run_scoped3A : memref<!tpu.dma_semaphore, #tpu.memory_space<semaphore_mem>>)
      %dma_wait3A = arith.constant 64 : i32
      %dma_wait3A_119 = arith.constant 0 : i32
      %dma_wait3A_120 = tpu.memref_slice %arg3[%arg0, %arg1, %dma_wait3A, %dma_wait3A_119] : memref<2x16x128x80xi32, #tpu.memory_space<hbm>> -> memref<1x1x64x80xi32, #tpu.memory_space<hbm>>
      %dma_wait3A_121 = tpu.memref_squeeze %dma_wait3A_120 : memref<1x1x64x80xi32, #tpu.memory_space<hbm>> -> memref<64x80xi32, #tpu.memory_space<hbm>>
      %dma_wait3A_122 = arith.constant 64 : i32
      %dma_wait3A_123 = arith.constant 0 : i32
      %dma_wait3A_124 = tpu.memref_slice %arg3[%arg0, %arg1, %dma_wait3A_122, %dma_wait3A_123] : memref<2x16x128x80xi32, #tpu.memory_space<hbm>> -> memref<1x1x64x80xi32, #tpu.memory_space<hbm>>
      %dma_wait3A_125 = tpu.memref_squeeze %dma_wait3A_124 : memref<1x1x64x80xi32, #tpu.memory_space<hbm>> -> memref<64x80xi32, #tpu.memory_space<hbm>>
      tpu.wait_dma2 semaphore(%run_scoped3A : memref<!tpu.dma_semaphore, #tpu.memory_space<semaphore_mem>>) src(%dma_wait3A_125 : memref<64x80xi32, #tpu.memory_space<hbm>>) dst(%arg8 : memref<64x80xi32, #tpu.memory_space<vmem>>)
      tpu.yield
    }) : () -> ()
    %scan3A_41 = arith.constant 0 : i32
    %scan3A_42 = arith.constant 0 : i32
    %scan3A_43 = arith.constant 32 : i32
    %scan3A_44 = arith.addi %scan3A_42, %scan3A_43 : i32
    %scan3A_45 = arith.constant 1 : i32
    scf.for %scan3A_112 = %scan3A_42 to %scan3A_44 step %scan3A_45  : i32 {
      %mul3A_113 = arith.constant 2 : i32
      %mul3A_114 = arith.muli %mul3A_113, %scan3A_112 : i32
      %dma_start3A = arith.constant 0 : i32
      %dma_start3A_115 = tpu.memref_slice %arg7[%mul3A_114, %dma_start3A] : memref<64x80xi32, #tpu.memory_space<vmem>> -> memref<1x80xi32, #tpu.memory_space<vmem>>
      %dma_start3A_116 = tpu.memref_squeeze %dma_start3A_115 : memref<1x80xi32, #tpu.memory_space<vmem>> -> memref<80xi32, #tpu.memory_space<vmem>>
      %dma_start3A_117 = arith.constant 0 : i32
      %dma_start3A_118 = arith.constant 0 : i32
      %dma_start3A_119 = tpu.memref_slice %arg4[%dma_start3A_117, %dma_start3A_118] : memref<24000x128xf32, #tpu.memory_space<hbm>> -> memref<24000x128xf32, #tpu.memory_space<hbm>>
      tpu.enqueue_indirect_dma source(%dma_start3A_119 : memref<24000x128xf32, #tpu.memory_space<hbm>>) target(%arg9 : memref<80x128xf32, #tpu.memory_space<vmem>>) offsets(%dma_start3A_116 : memref<80xi32, #tpu.memory_space<vmem>>) semaphore(%arg11 : memref<!tpu.dma_semaphore, #tpu.memory_space<semaphore_mem>>)
      %add3A_120 = arith.constant 1 : i32
      %add3A_121 = arith.addi %mul3A_114, %add3A_120 : i32
      %dma_start3A_122 = arith.constant 0 : i32
      %dma_start3A_123 = tpu.memref_slice %arg7[%add3A_121, %dma_start3A_122] : memref<64x80xi32, #tpu.memory_space<vmem>> -> memref<1x80xi32, #tpu.memory_space<vmem>>
      %dma_start3A_124 = tpu.memref_squeeze %dma_start3A_123 : memref<1x80xi32, #tpu.memory_space<vmem>> -> memref<80xi32, #tpu.memory_space<vmem>>
      %dma_start3A_125 = arith.constant 0 : i32
      %dma_start3A_126 = arith.constant 0 : i32
      %dma_start3A_127 = tpu.memref_slice %arg4[%dma_start3A_125, %dma_start3A_126] : memref<24000x128xf32, #tpu.memory_space<hbm>> -> memref<24000x128xf32, #tpu.memory_space<hbm>>
      tpu.enqueue_indirect_dma source(%dma_start3A_127 : memref<24000x128xf32, #tpu.memory_space<hbm>>) target(%arg10 : memref<80x128xf32, #tpu.memory_space<vmem>>) offsets(%dma_start3A_124 : memref<80xi32, #tpu.memory_space<vmem>>) semaphore(%arg12 : memref<!tpu.dma_semaphore, #tpu.memory_space<semaphore_mem>>)
      %dma_wait3A = arith.constant 0 : i32
      %dma_wait3A_128 = tpu.memref_slice %arg7[%mul3A_114, %dma_wait3A] : memref<64x80xi32, #tpu.memory_space<vmem>> -> memref<1x80xi32, #tpu.memory_space<vmem>>
      %dma_wait3A_129 = tpu.memref_squeeze %dma_wait3A_128 : memref<1x80xi32, #tpu.memory_space<vmem>> -> memref<80xi32, #tpu.memory_space<vmem>>
      %dma_wait3A_130 = arith.constant 0 : i32
      %dma_wait3A_131 = arith.constant 0 : i32
      %dma_wait3A_132 = tpu.memref_slice %arg4[%dma_wait3A_130, %dma_wait3A_131] : memref<24000x128xf32, #tpu.memory_space<hbm>> -> memref<24000x128xf32, #tpu.memory_space<hbm>>
      tpu.wait_indirect_dma semaphore(%arg11 : memref<!tpu.dma_semaphore, #tpu.memory_space<semaphore_mem>>) src(%dma_wait3A_132 : memref<24000x128xf32, #tpu.memory_space<hbm>>) dst(%arg9 : memref<80x128xf32, #tpu.memory_space<vmem>>)
      "tpu.region"() ({
        %run_scoped3A = tpu.sem_alloc : memref<!tpu.dma_semaphore, #tpu.memory_space<semaphore_mem>>
        %dma_start3A_141 = arith.constant 0 : i32
        %dma_start3A_142 = tpu.memref_slice %arg8[%mul3A_114, %dma_start3A_141] : memref<64x80xi32, #tpu.memory_space<vmem>> -> memref<1x80xi32, #tpu.memory_space<vmem>>
        %dma_start3A_143 = tpu.memref_squeeze %dma_start3A_142 : memref<1x80xi32, #tpu.memory_space<vmem>> -> memref<80xi32, #tpu.memory_space<vmem>>
        %dma_start3A_144 = arith.constant 0 : i32
        %dma_start3A_145 = arith.constant 0 : i32
        %dma_start3A_146 = tpu.memref_slice %arg6[%dma_start3A_144, %dma_start3A_145] : memref<10240x128xf32, #tpu.memory_space<vmem_shared>> -> memref<10240x128xf32, #tpu.memory_space<vmem_shared>>
        tpu.enqueue_indirect_dma source(%arg9 : memref<80x128xf32, #tpu.memory_space<vmem>>) target(%dma_start3A_146 : memref<10240x128xf32, #tpu.memory_space<vmem_shared>>) offsets(%dma_start3A_143 : memref<80xi32, #tpu.memory_space<vmem>>) semaphore(%run_scoped3A : memref<!tpu.dma_semaphore, #tpu.memory_space<semaphore_mem>>) {add = true}
        %dma_wait3A_147 = arith.constant 0 : i32
        %dma_wait3A_148 = tpu.memref_slice %arg8[%mul3A_114, %dma_wait3A_147] : memref<64x80xi32, #tpu.memory_space<vmem>> -> memref<1x80xi32, #tpu.memory_space<vmem>>
        %dma_wait3A_149 = tpu.memref_squeeze %dma_wait3A_148 : memref<1x80xi32, #tpu.memory_space<vmem>> -> memref<80xi32, #tpu.memory_space<vmem>>
        %dma_wait3A_150 = arith.constant 0 : i32
        %dma_wait3A_151 = arith.constant 0 : i32
        %dma_wait3A_152 = tpu.memref_slice %arg6[%dma_wait3A_150, %dma_wait3A_151] : memref<10240x128xf32, #tpu.memory_space<vmem_shared>> -> memref<10240x128xf32, #tpu.memory_space<vmem_shared>>
        tpu.wait_indirect_dma semaphore(%run_scoped3A : memref<!tpu.dma_semaphore, #tpu.memory_space<semaphore_mem>>) src(%arg9 : memref<80x128xf32, #tpu.memory_space<vmem>>) dst(%dma_wait3A_152 : memref<10240x128xf32, #tpu.memory_space<vmem_shared>>)
        tpu.yield
      }) : () -> ()
      %dma_wait3A_133 = arith.constant 0 : i32
      %dma_wait3A_134 = tpu.memref_slice %arg7[%add3A_121, %dma_wait3A_133] : memref<64x80xi32, #tpu.memory_space<vmem>> -> memref<1x80xi32, #tpu.memory_space<vmem>>
      %dma_wait3A_135 = tpu.memref_squeeze %dma_wait3A_134 : memref<1x80xi32, #tpu.memory_space<vmem>> -> memref<80xi32, #tpu.memory_space<vmem>>
      %dma_wait3A_136 = arith.constant 0 : i32
      %dma_wait3A_137 = arith.constant 0 : i32
      %dma_wait3A_138 = tpu.memref_slice %arg4[%dma_wait3A_136, %dma_wait3A_137] : memref<24000x128xf32, #tpu.memory_space<hbm>> -> memref<24000x128xf32, #tpu.memory_space<hbm>>
      tpu.wait_indirect_dma semaphore(%arg12 : memref<!tpu.dma_semaphore, #tpu.memory_space<semaphore_mem>>) src(%dma_wait3A_138 : memref<24000x128xf32, #tpu.memory_space<hbm>>) dst(%arg10 : memref<80x128xf32, #tpu.memory_space<vmem>>)
      %add3A_139 = arith.constant 1 : i32
      %add3A_140 = arith.addi %mul3A_114, %add3A_139 : i32
      "tpu.region"() ({
        %run_scoped3A = tpu.sem_alloc : memref<!tpu.dma_semaphore, #tpu.memory_space<semaphore_mem>>
        %dma_start3A_141 = arith.constant 0 : i32
        %dma_start3A_142 = tpu.memref_slice %arg8[%add3A_140, %dma_start3A_141] : memref<64x80xi32, #tpu.memory_space<vmem>> -> memref<1x80xi32, #tpu.memory_space<vmem>>
        %dma_start3A_143 = tpu.memref_squeeze %dma_start3A_142 : memref<1x80xi32, #tpu.memory_space<vmem>> -> memref<80xi32, #tpu.memory_space<vmem>>
        %dma_start3A_144 = arith.constant 0 : i32
        %dma_start3A_145 = arith.constant 0 : i32
        %dma_start3A_146 = tpu.memref_slice %arg6[%dma_start3A_144, %dma_start3A_145] : memref<10240x128xf32, #tpu.memory_space<vmem_shared>> -> memref<10240x128xf32, #tpu.memory_space<vmem_shared>>
        tpu.enqueue_indirect_dma source(%arg10 : memref<80x128xf32, #tpu.memory_space<vmem>>) target(%dma_start3A_146 : memref<10240x128xf32, #tpu.memory_space<vmem_shared>>) offsets(%dma_start3A_143 : memref<80xi32, #tpu.memory_space<vmem>>) semaphore(%run_scoped3A : memref<!tpu.dma_semaphore, #tpu.memory_space<semaphore_mem>>) {add = true}
        %dma_wait3A_147 = arith.constant 0 : i32
        %dma_wait3A_148 = tpu.memref_slice %arg8[%add3A_140, %dma_wait3A_147] : memref<64x80xi32, #tpu.memory_space<vmem>> -> memref<1x80xi32, #tpu.memory_space<vmem>>
        %dma_wait3A_149 = tpu.memref_squeeze %dma_wait3A_148 : memref<1x80xi32, #tpu.memory_space<vmem>> -> memref<80xi32, #tpu.memory_space<vmem>>
        %dma_wait3A_150 = arith.constant 0 : i32
        %dma_wait3A_151 = arith.constant 0 : i32
        %dma_wait3A_152 = tpu.memref_slice %arg6[%dma_wait3A_150, %dma_wait3A_151] : memref<10240x128xf32, #tpu.memory_space<vmem_shared>> -> memref<10240x128xf32, #tpu.memory_space<vmem_shared>>
        tpu.wait_indirect_dma semaphore(%run_scoped3A : memref<!tpu.dma_semaphore, #tpu.memory_space<semaphore_mem>>) src(%arg10 : memref<80x128xf32, #tpu.memory_space<vmem>>) dst(%dma_wait3A_152 : memref<10240x128xf32, #tpu.memory_space<vmem_shared>>)
        tpu.yield
      }) : () -> ()
    }
    %scan3A_46 = arith.constant 32 : i32
    %barrier3A_47 = arith.constant 0 : index
    tpu.barrier barrier_id(%barrier3A_47)
    %mul3A_48 = arith.constant 640 : i32
    %mul3A_49 = arith.muli %arg1, %mul3A_48 : i32
    %add3A_50 = arith.constant 0 : i32
    %add3A_51 = arith.addi %mul3A_49, %add3A_50 : i32
    "tpu.region"() ({
      %run_scoped3A = tpu.sem_alloc : memref<!tpu.dma_semaphore, #tpu.memory_space<semaphore_mem>>
      %dma_start3A = arith.constant 0 : i32
      %dma_start3A_112 = tpu.memref_slice %arg6[%add3A_51, %dma_start3A] : memref<10240x128xf32, #tpu.memory_space<vmem_shared>> -> memref<80x128xf32, #tpu.memory_space<vmem_shared>>
      %dma_start3A_113 = arith.constant 0 : i32
      %dma_start3A_114 = tpu.memref_slice %arg6[%add3A_51, %dma_start3A_113] : memref<10240x128xf32, #tpu.memory_space<vmem_shared>> -> memref<80x128xf32, #tpu.memory_space<vmem_shared>>
      tpu.enqueue_dma source(%dma_start3A_114 : memref<80x128xf32, #tpu.memory_space<vmem_shared>>) target(%arg9 : memref<80x128xf32, #tpu.memory_space<vmem>>) target_semaphore(%run_scoped3A : memref<!tpu.dma_semaphore, #tpu.memory_space<semaphore_mem>>)
      %dma_wait3A = arith.constant 0 : i32
      %dma_wait3A_115 = tpu.memref_slice %arg6[%add3A_51, %dma_wait3A] : memref<10240x128xf32, #tpu.memory_space<vmem_shared>> -> memref<80x128xf32, #tpu.memory_space<vmem_shared>>
      %dma_wait3A_116 = arith.constant 0 : i32
      %dma_wait3A_117 = tpu.memref_slice %arg6[%add3A_51, %dma_wait3A_116] : memref<10240x128xf32, #tpu.memory_space<vmem_shared>> -> memref<80x128xf32, #tpu.memory_space<vmem_shared>>
      tpu.wait_dma2 semaphore(%run_scoped3A : memref<!tpu.dma_semaphore, #tpu.memory_space<semaphore_mem>>) src(%dma_wait3A_117 : memref<80x128xf32, #tpu.memory_space<vmem_shared>>) dst(%arg9 : memref<80x128xf32, #tpu.memory_space<vmem>>)
      tpu.yield
    }) : () -> ()
    %mul3A_52 = arith.constant 640 : i32
    %mul3A_53 = arith.muli %arg1, %mul3A_52 : i32
    %add3A_54 = arith.constant 0 : i32
    %add3A_55 = arith.addi %mul3A_53, %add3A_54 : i32
    "tpu.region"() ({
      %run_scoped3A = tpu.sem_alloc : memref<!tpu.dma_semaphore, #tpu.memory_space<semaphore_mem>>
      %dma_start3A = arith.constant 0 : i32
      %dma_start3A_112 = tpu.memref_slice %arg5[%arg0, %add3A_55, %dma_start3A] : memref<2x10240x128xf32, #tpu.memory_space<hbm>> -> memref<1x80x128xf32, #tpu.memory_space<hbm>>
      %dma_start3A_113 = tpu.memref_squeeze %dma_start3A_112 : memref<1x80x128xf32, #tpu.memory_space<hbm>> -> memref<80x128xf32, #tpu.memory_space<hbm>>
      %dma_start3A_114 = arith.constant 0 : i32
      %dma_start3A_115 = tpu.memref_slice %arg5[%arg0, %add3A_55, %dma_start3A_114] : memref<2x10240x128xf32, #tpu.memory_space<hbm>> -> memref<1x80x128xf32, #tpu.memory_space<hbm>>
      %dma_start3A_116 = tpu.memref_squeeze %dma_start3A_115 : memref<1x80x128xf32, #tpu.memory_space<hbm>> -> memref<80x128xf32, #tpu.memory_space<hbm>>
      tpu.enqueue_dma source(%arg9 : memref<80x128xf32, #tpu.memory_space<vmem>>) target(%dma_start3A_116 : memref<80x128xf32, #tpu.memory_space<hbm>>) target_semaphore(%run_scoped3A : memref<!tpu.dma_semaphore, #tpu.memory_space<semaphore_mem>>)
      %dma_wait3A = arith.constant 0 : i32
      %dma_wait3A_117 = tpu.memref_slice %arg5[%arg0, %add3A_55, %dma_wait3A] : memref<2x10240x128xf32, #tpu.memory_space<hbm>> -> memref<1x80x128xf32, #tpu.memory_space<hbm>>
      %dma_wait3A_118 = tpu.memref_squeeze %dma_wait3A_117 : memref<1x80x128xf32, #tpu.memory_space<hbm>> -> memref<80x128xf32, #tpu.memory_space<hbm>>
      %dma_wait3A_119 = arith.constant 0 : i32
      %dma_wait3A_120 = tpu.memref_slice %arg5[%arg0, %add3A_55, %dma_wait3A_119] : memref<2x10240x128xf32, #tpu.memory_space<hbm>> -> memref<1x80x128xf32, #tpu.memory_space<hbm>>
      %dma_wait3A_121 = tpu.memref_squeeze %dma_wait3A_120 : memref<1x80x128xf32, #tpu.memory_space<hbm>> -> memref<80x128xf32, #tpu.memory_space<hbm>>
      tpu.wait_dma2 semaphore(%run_scoped3A : memref<!tpu.dma_semaphore, #tpu.memory_space<semaphore_mem>>) src(%arg9 : memref<80x128xf32, #tpu.memory_space<vmem>>) dst(%dma_wait3A_121 : memref<80x128xf32, #tpu.memory_space<hbm>>)
      tpu.yield
    }) : () -> ()
    %mul3A_56 = arith.constant 640 : i32
    %mul3A_57 = arith.muli %arg1, %mul3A_56 : i32
    %add3A_58 = arith.constant 80 : i32
    %add3A_59 = arith.addi %mul3A_57, %add3A_58 : i32
    "tpu.region"() ({
      %run_scoped3A = tpu.sem_alloc : memref<!tpu.dma_semaphore, #tpu.memory_space<semaphore_mem>>
      %dma_start3A = arith.constant 0 : i32
      %dma_start3A_112 = tpu.memref_slice %arg6[%add3A_59, %dma_start3A] : memref<10240x128xf32, #tpu.memory_space<vmem_shared>> -> memref<80x128xf32, #tpu.memory_space<vmem_shared>>
      %dma_start3A_113 = arith.constant 0 : i32
      %dma_start3A_114 = tpu.memref_slice %arg6[%add3A_59, %dma_start3A_113] : memref<10240x128xf32, #tpu.memory_space<vmem_shared>> -> memref<80x128xf32, #tpu.memory_space<vmem_shared>>
      tpu.enqueue_dma source(%dma_start3A_114 : memref<80x128xf32, #tpu.memory_space<vmem_shared>>) target(%arg9 : memref<80x128xf32, #tpu.memory_space<vmem>>) target_semaphore(%run_scoped3A : memref<!tpu.dma_semaphore, #tpu.memory_space<semaphore_mem>>)
      %dma_wait3A = arith.constant 0 : i32
      %dma_wait3A_115 = tpu.memref_slice %arg6[%add3A_59, %dma_wait3A] : memref<10240x128xf32, #tpu.memory_space<vmem_shared>> -> memref<80x128xf32, #tpu.memory_space<vmem_shared>>
      %dma_wait3A_116 = arith.constant 0 : i32
      %dma_wait3A_117 = tpu.memref_slice %arg6[%add3A_59, %dma_wait3A_116] : memref<10240x128xf32, #tpu.memory_space<vmem_shared>> -> memref<80x128xf32, #tpu.memory_space<vmem_shared>>
      tpu.wait_dma2 semaphore(%run_scoped3A : memref<!tpu.dma_semaphore, #tpu.memory_space<semaphore_mem>>) src(%dma_wait3A_117 : memref<80x128xf32, #tpu.memory_space<vmem_shared>>) dst(%arg9 : memref<80x128xf32, #tpu.memory_space<vmem>>)
      tpu.yield
    }) : () -> ()
    %mul3A_60 = arith.constant 640 : i32
    %mul3A_61 = arith.muli %arg1, %mul3A_60 : i32
    %add3A_62 = arith.constant 80 : i32
    %add3A_63 = arith.addi %mul3A_61, %add3A_62 : i32
    "tpu.region"() ({
      %run_scoped3A = tpu.sem_alloc : memref<!tpu.dma_semaphore, #tpu.memory_space<semaphore_mem>>
      %dma_start3A = arith.constant 0 : i32
      %dma_start3A_112 = tpu.memref_slice %arg5[%arg0, %add3A_63, %dma_start3A] : memref<2x10240x128xf32, #tpu.memory_space<hbm>> -> memref<1x80x128xf32, #tpu.memory_space<hbm>>
      %dma_start3A_113 = tpu.memref_squeeze %dma_start3A_112 : memref<1x80x128xf32, #tpu.memory_space<hbm>> -> memref<80x128xf32, #tpu.memory_space<hbm>>
      %dma_start3A_114 = arith.constant 0 : i32
      %dma_start3A_115 = tpu.memref_slice %arg5[%arg0, %add3A_63, %dma_start3A_114] : memref<2x10240x128xf32, #tpu.memory_space<hbm>> -> memref<1x80x128xf32, #tpu.memory_space<hbm>>
      %dma_start3A_116 = tpu.memref_squeeze %dma_start3A_115 : memref<1x80x128xf32, #tpu.memory_space<hbm>> -> memref<80x128xf32, #tpu.memory_space<hbm>>
      tpu.enqueue_dma source(%arg9 : memref<80x128xf32, #tpu.memory_space<vmem>>) target(%dma_start3A_116 : memref<80x128xf32, #tpu.memory_space<hbm>>) target_semaphore(%run_scoped3A : memref<!tpu.dma_semaphore, #tpu.memory_space<semaphore_mem>>)
      %dma_wait3A = arith.constant 0 : i32
      %dma_wait3A_117 = tpu.memref_slice %arg5[%arg0, %add3A_63, %dma_wait3A] : memref<2x10240x128xf32, #tpu.memory_space<hbm>> -> memref<1x80x128xf32, #tpu.memory_space<hbm>>
      %dma_wait3A_118 = tpu.memref_squeeze %dma_wait3A_117 : memref<1x80x128xf32, #tpu.memory_space<hbm>> -> memref<80x128xf32, #tpu.memory_space<hbm>>
      %dma_wait3A_119 = arith.constant 0 : i32
      %dma_wait3A_120 = tpu.memref_slice %arg5[%arg0, %add3A_63, %dma_wait3A_119] : memref<2x10240x128xf32, #tpu.memory_space<hbm>> -> memref<1x80x128xf32, #tpu.memory_space<hbm>>
      %dma_wait3A_121 = tpu.memref_squeeze %dma_wait3A_120 : memref<1x80x128xf32, #tpu.memory_space<hbm>> -> memref<80x128xf32, #tpu.memory_space<hbm>>
      tpu.wait_dma2 semaphore(%run_scoped3A : memref<!tpu.dma_semaphore, #tpu.memory_space<semaphore_mem>>) src(%arg9 : memref<80x128xf32, #tpu.memory_space<vmem>>) dst(%dma_wait3A_121 : memref<80x128xf32, #tpu.memory_space<hbm>>)
      tpu.yield
    }) : () -> ()
    %mul3A_64 = arith.constant 640 : i32
    %mul3A_65 = arith.muli %arg1, %mul3A_64 : i32
    %add3A_66 = arith.constant 160 : i32
    %add3A_67 = arith.addi %mul3A_65, %add3A_66 : i32
    "tpu.region"() ({
      %run_scoped3A = tpu.sem_alloc : memref<!tpu.dma_semaphore, #tpu.memory_space<semaphore_mem>>
      %dma_start3A = arith.constant 0 : i32
      %dma_start3A_112 = tpu.memref_slice %arg6[%add3A_67, %dma_start3A] : memref<10240x128xf32, #tpu.memory_space<vmem_shared>> -> memref<80x128xf32, #tpu.memory_space<vmem_shared>>
      %dma_start3A_113 = arith.constant 0 : i32
      %dma_start3A_114 = tpu.memref_slice %arg6[%add3A_67, %dma_start3A_113] : memref<10240x128xf32, #tpu.memory_space<vmem_shared>> -> memref<80x128xf32, #tpu.memory_space<vmem_shared>>
      tpu.enqueue_dma source(%dma_start3A_114 : memref<80x128xf32, #tpu.memory_space<vmem_shared>>) target(%arg9 : memref<80x128xf32, #tpu.memory_space<vmem>>) target_semaphore(%run_scoped3A : memref<!tpu.dma_semaphore, #tpu.memory_space<semaphore_mem>>)
      %dma_wait3A = arith.constant 0 : i32
      %dma_wait3A_115 = tpu.memref_slice %arg6[%add3A_67, %dma_wait3A] : memref<10240x128xf32, #tpu.memory_space<vmem_shared>> -> memref<80x128xf32, #tpu.memory_space<vmem_shared>>
      %dma_wait3A_116 = arith.constant 0 : i32
      %dma_wait3A_117 = tpu.memref_slice %arg6[%add3A_67, %dma_wait3A_116] : memref<10240x128xf32, #tpu.memory_space<vmem_shared>> -> memref<80x128xf32, #tpu.memory_space<vmem_shared>>
      tpu.wait_dma2 semaphore(%run_scoped3A : memref<!tpu.dma_semaphore, #tpu.memory_space<semaphore_mem>>) src(%dma_wait3A_117 : memref<80x128xf32, #tpu.memory_space<vmem_shared>>) dst(%arg9 : memref<80x128xf32, #tpu.memory_space<vmem>>)
      tpu.yield
    }) : () -> ()
    %mul3A_68 = arith.constant 640 : i32
    %mul3A_69 = arith.muli %arg1, %mul3A_68 : i32
    %add3A_70 = arith.constant 160 : i32
    %add3A_71 = arith.addi %mul3A_69, %add3A_70 : i32
    "tpu.region"() ({
      %run_scoped3A = tpu.sem_alloc : memref<!tpu.dma_semaphore, #tpu.memory_space<semaphore_mem>>
      %dma_start3A = arith.constant 0 : i32
      %dma_start3A_112 = tpu.memref_slice %arg5[%arg0, %add3A_71, %dma_start3A] : memref<2x10240x128xf32, #tpu.memory_space<hbm>> -> memref<1x80x128xf32, #tpu.memory_space<hbm>>
      %dma_start3A_113 = tpu.memref_squeeze %dma_start3A_112 : memref<1x80x128xf32, #tpu.memory_space<hbm>> -> memref<80x128xf32, #tpu.memory_space<hbm>>
      %dma_start3A_114 = arith.constant 0 : i32
      %dma_start3A_115 = tpu.memref_slice %arg5[%arg0, %add3A_71, %dma_start3A_114] : memref<2x10240x128xf32, #tpu.memory_space<hbm>> -> memref<1x80x128xf32, #tpu.memory_space<hbm>>
      %dma_start3A_116 = tpu.memref_squeeze %dma_start3A_115 : memref<1x80x128xf32, #tpu.memory_space<hbm>> -> memref<80x128xf32, #tpu.memory_space<hbm>>
      tpu.enqueue_dma source(%arg9 : memref<80x128xf32, #tpu.memory_space<vmem>>) target(%dma_start3A_116 : memref<80x128xf32, #tpu.memory_space<hbm>>) target_semaphore(%run_scoped3A : memref<!tpu.dma_semaphore, #tpu.memory_space<semaphore_mem>>)
      %dma_wait3A = arith.constant 0 : i32
      %dma_wait3A_117 = tpu.memref_slice %arg5[%arg0, %add3A_71, %dma_wait3A] : memref<2x10240x128xf32, #tpu.memory_space<hbm>> -> memref<1x80x128xf32, #tpu.memory_space<hbm>>
      %dma_wait3A_118 = tpu.memref_squeeze %dma_wait3A_117 : memref<1x80x128xf32, #tpu.memory_space<hbm>> -> memref<80x128xf32, #tpu.memory_space<hbm>>
      %dma_wait3A_119 = arith.constant 0 : i32
      %dma_wait3A_120 = tpu.memref_slice %arg5[%arg0, %add3A_71, %dma_wait3A_119] : memref<2x10240x128xf32, #tpu.memory_space<hbm>> -> memref<1x80x128xf32, #tpu.memory_space<hbm>>
      %dma_wait3A_121 = tpu.memref_squeeze %dma_wait3A_120 : memref<1x80x128xf32, #tpu.memory_space<hbm>> -> memref<80x128xf32, #tpu.memory_space<hbm>>
      tpu.wait_dma2 semaphore(%run_scoped3A : memref<!tpu.dma_semaphore, #tpu.memory_space<semaphore_mem>>) src(%arg9 : memref<80x128xf32, #tpu.memory_space<vmem>>) dst(%dma_wait3A_121 : memref<80x128xf32, #tpu.memory_space<hbm>>)
      tpu.yield
    }) : () -> ()
    %mul3A_72 = arith.constant 640 : i32
    %mul3A_73 = arith.muli %arg1, %mul3A_72 : i32
    %add3A_74 = arith.constant 240 : i32
    %add3A_75 = arith.addi %mul3A_73, %add3A_74 : i32
    "tpu.region"() ({
      %run_scoped3A = tpu.sem_alloc : memref<!tpu.dma_semaphore, #tpu.memory_space<semaphore_mem>>
      %dma_start3A = arith.constant 0 : i32
      %dma_start3A_112 = tpu.memref_slice %arg6[%add3A_75, %dma_start3A] : memref<10240x128xf32, #tpu.memory_space<vmem_shared>> -> memref<80x128xf32, #tpu.memory_space<vmem_shared>>
      %dma_start3A_113 = arith.constant 0 : i32
      %dma_start3A_114 = tpu.memref_slice %arg6[%add3A_75, %dma_start3A_113] : memref<10240x128xf32, #tpu.memory_space<vmem_shared>> -> memref<80x128xf32, #tpu.memory_space<vmem_shared>>
      tpu.enqueue_dma source(%dma_start3A_114 : memref<80x128xf32, #tpu.memory_space<vmem_shared>>) target(%arg9 : memref<80x128xf32, #tpu.memory_space<vmem>>) target_semaphore(%run_scoped3A : memref<!tpu.dma_semaphore, #tpu.memory_space<semaphore_mem>>)
      %dma_wait3A = arith.constant 0 : i32
      %dma_wait3A_115 = tpu.memref_slice %arg6[%add3A_75, %dma_wait3A] : memref<10240x128xf32, #tpu.memory_space<vmem_shared>> -> memref<80x128xf32, #tpu.memory_space<vmem_shared>>
      %dma_wait3A_116 = arith.constant 0 : i32
      %dma_wait3A_117 = tpu.memref_slice %arg6[%add3A_75, %dma_wait3A_116] : memref<10240x128xf32, #tpu.memory_space<vmem_shared>> -> memref<80x128xf32, #tpu.memory_space<vmem_shared>>
      tpu.wait_dma2 semaphore(%run_scoped3A : memref<!tpu.dma_semaphore, #tpu.memory_space<semaphore_mem>>) src(%dma_wait3A_117 : memref<80x128xf32, #tpu.memory_space<vmem_shared>>) dst(%arg9 : memref<80x128xf32, #tpu.memory_space<vmem>>)
      tpu.yield
    }) : () -> ()
    %mul3A_76 = arith.constant 640 : i32
    %mul3A_77 = arith.muli %arg1, %mul3A_76 : i32
    %add3A_78 = arith.constant 240 : i32
    %add3A_79 = arith.addi %mul3A_77, %add3A_78 : i32
    "tpu.region"() ({
      %run_scoped3A = tpu.sem_alloc : memref<!tpu.dma_semaphore, #tpu.memory_space<semaphore_mem>>
      %dma_start3A = arith.constant 0 : i32
      %dma_start3A_112 = tpu.memref_slice %arg5[%arg0, %add3A_79, %dma_start3A] : memref<2x10240x128xf32, #tpu.memory_space<hbm>> -> memref<1x80x128xf32, #tpu.memory_space<hbm>>
      %dma_start3A_113 = tpu.memref_squeeze %dma_start3A_112 : memref<1x80x128xf32, #tpu.memory_space<hbm>> -> memref<80x128xf32, #tpu.memory_space<hbm>>
      %dma_start3A_114 = arith.constant 0 : i32
      %dma_start3A_115 = tpu.memref_slice %arg5[%arg0, %add3A_79, %dma_start3A_114] : memref<2x10240x128xf32, #tpu.memory_space<hbm>> -> memref<1x80x128xf32, #tpu.memory_space<hbm>>
      %dma_start3A_116 = tpu.memref_squeeze %dma_start3A_115 : memref<1x80x128xf32, #tpu.memory_space<hbm>> -> memref<80x128xf32, #tpu.memory_space<hbm>>
      tpu.enqueue_dma source(%arg9 : memref<80x128xf32, #tpu.memory_space<vmem>>) target(%dma_start3A_116 : memref<80x128xf32, #tpu.memory_space<hbm>>) target_semaphore(%run_scoped3A : memref<!tpu.dma_semaphore, #tpu.memory_space<semaphore_mem>>)
      %dma_wait3A = arith.constant 0 : i32
      %dma_wait3A_117 = tpu.memref_slice %arg5[%arg0, %add3A_79, %dma_wait3A] : memref<2x10240x128xf32, #tpu.memory_space<hbm>> -> memref<1x80x128xf32, #tpu.memory_space<hbm>>
      %dma_wait3A_118 = tpu.memref_squeeze %dma_wait3A_117 : memref<1x80x128xf32, #tpu.memory_space<hbm>> -> memref<80x128xf32, #tpu.memory_space<hbm>>
      %dma_wait3A_119 = arith.constant 0 : i32
      %dma_wait3A_120 = tpu.memref_slice %arg5[%arg0, %add3A_79, %dma_wait3A_119] : memref<2x10240x128xf32, #tpu.memory_space<hbm>> -> memref<1x80x128xf32, #tpu.memory_space<hbm>>
      %dma_wait3A_121 = tpu.memref_squeeze %dma_wait3A_120 : memref<1x80x128xf32, #tpu.memory_space<hbm>> -> memref<80x128xf32, #tpu.memory_space<hbm>>
      tpu.wait_dma2 semaphore(%run_scoped3A : memref<!tpu.dma_semaphore, #tpu.memory_space<semaphore_mem>>) src(%arg9 : memref<80x128xf32, #tpu.memory_space<vmem>>) dst(%dma_wait3A_121 : memref<80x128xf32, #tpu.memory_space<hbm>>)
      tpu.yield
    }) : () -> ()
    %mul3A_80 = arith.constant 640 : i32
    %mul3A_81 = arith.muli %arg1, %mul3A_80 : i32
    %add3A_82 = arith.constant 320 : i32
    %add3A_83 = arith.addi %mul3A_81, %add3A_82 : i32
    "tpu.region"() ({
      %run_scoped3A = tpu.sem_alloc : memref<!tpu.dma_semaphore, #tpu.memory_space<semaphore_mem>>
      %dma_start3A = arith.constant 0 : i32
      %dma_start3A_112 = tpu.memref_slice %arg6[%add3A_83, %dma_start3A] : memref<10240x128xf32, #tpu.memory_space<vmem_shared>> -> memref<80x128xf32, #tpu.memory_space<vmem_shared>>
      %dma_start3A_113 = arith.constant 0 : i32
      %dma_start3A_114 = tpu.memref_slice %arg6[%add3A_83, %dma_start3A_113] : memref<10240x128xf32, #tpu.memory_space<vmem_shared>> -> memref<80x128xf32, #tpu.memory_space<vmem_shared>>
      tpu.enqueue_dma source(%dma_start3A_114 : memref<80x128xf32, #tpu.memory_space<vmem_shared>>) target(%arg9 : memref<80x128xf32, #tpu.memory_space<vmem>>) target_semaphore(%run_scoped3A : memref<!tpu.dma_semaphore, #tpu.memory_space<semaphore_mem>>)
      %dma_wait3A = arith.constant 0 : i32
      %dma_wait3A_115 = tpu.memref_slice %arg6[%add3A_83, %dma_wait3A] : memref<10240x128xf32, #tpu.memory_space<vmem_shared>> -> memref<80x128xf32, #tpu.memory_space<vmem_shared>>
      %dma_wait3A_116 = arith.constant 0 : i32
      %dma_wait3A_117 = tpu.memref_slice %arg6[%add3A_83, %dma_wait3A_116] : memref<10240x128xf32, #tpu.memory_space<vmem_shared>> -> memref<80x128xf32, #tpu.memory_space<vmem_shared>>
      tpu.wait_dma2 semaphore(%run_scoped3A : memref<!tpu.dma_semaphore, #tpu.memory_space<semaphore_mem>>) src(%dma_wait3A_117 : memref<80x128xf32, #tpu.memory_space<vmem_shared>>) dst(%arg9 : memref<80x128xf32, #tpu.memory_space<vmem>>)
      tpu.yield
    }) : () -> ()
    %mul3A_84 = arith.constant 640 : i32
    %mul3A_85 = arith.muli %arg1, %mul3A_84 : i32
    %add3A_86 = arith.constant 320 : i32
    %add3A_87 = arith.addi %mul3A_85, %add3A_86 : i32
    "tpu.region"() ({
      %run_scoped3A = tpu.sem_alloc : memref<!tpu.dma_semaphore, #tpu.memory_space<semaphore_mem>>
      %dma_start3A = arith.constant 0 : i32
      %dma_start3A_112 = tpu.memref_slice %arg5[%arg0, %add3A_87, %dma_start3A] : memref<2x10240x128xf32, #tpu.memory_space<hbm>> -> memref<1x80x128xf32, #tpu.memory_space<hbm>>
      %dma_start3A_113 = tpu.memref_squeeze %dma_start3A_112 : memref<1x80x128xf32, #tpu.memory_space<hbm>> -> memref<80x128xf32, #tpu.memory_space<hbm>>
      %dma_start3A_114 = arith.constant 0 : i32
      %dma_start3A_115 = tpu.memref_slice %arg5[%arg0, %add3A_87, %dma_start3A_114] : memref<2x10240x128xf32, #tpu.memory_space<hbm>> -> memref<1x80x128xf32, #tpu.memory_space<hbm>>
      %dma_start3A_116 = tpu.memref_squeeze %dma_start3A_115 : memref<1x80x128xf32, #tpu.memory_space<hbm>> -> memref<80x128xf32, #tpu.memory_space<hbm>>
      tpu.enqueue_dma source(%arg9 : memref<80x128xf32, #tpu.memory_space<vmem>>) target(%dma_start3A_116 : memref<80x128xf32, #tpu.memory_space<hbm>>) target_semaphore(%run_scoped3A : memref<!tpu.dma_semaphore, #tpu.memory_space<semaphore_mem>>)
      %dma_wait3A = arith.constant 0 : i32
      %dma_wait3A_117 = tpu.memref_slice %arg5[%arg0, %add3A_87, %dma_wait3A] : memref<2x10240x128xf32, #tpu.memory_space<hbm>> -> memref<1x80x128xf32, #tpu.memory_space<hbm>>
      %dma_wait3A_118 = tpu.memref_squeeze %dma_wait3A_117 : memref<1x80x128xf32, #tpu.memory_space<hbm>> -> memref<80x128xf32, #tpu.memory_space<hbm>>
      %dma_wait3A_119 = arith.constant 0 : i32
      %dma_wait3A_120 = tpu.memref_slice %arg5[%arg0, %add3A_87, %dma_wait3A_119] : memref<2x10240x128xf32, #tpu.memory_space<hbm>> -> memref<1x80x128xf32, #tpu.memory_space<hbm>>
      %dma_wait3A_121 = tpu.memref_squeeze %dma_wait3A_120 : memref<1x80x128xf32, #tpu.memory_space<hbm>> -> memref<80x128xf32, #tpu.memory_space<hbm>>
      tpu.wait_dma2 semaphore(%run_scoped3A : memref<!tpu.dma_semaphore, #tpu.memory_space<semaphore_mem>>) src(%arg9 : memref<80x128xf32, #tpu.memory_space<vmem>>) dst(%dma_wait3A_121 : memref<80x128xf32, #tpu.memory_space<hbm>>)
      tpu.yield
    }) : () -> ()
    %mul3A_88 = arith.constant 640 : i32
    %mul3A_89 = arith.muli %arg1, %mul3A_88 : i32
    %add3A_90 = arith.constant 400 : i32
    %add3A_91 = arith.addi %mul3A_89, %add3A_90 : i32
    "tpu.region"() ({
      %run_scoped3A = tpu.sem_alloc : memref<!tpu.dma_semaphore, #tpu.memory_space<semaphore_mem>>
      %dma_start3A = arith.constant 0 : i32
      %dma_start3A_112 = tpu.memref_slice %arg6[%add3A_91, %dma_start3A] : memref<10240x128xf32, #tpu.memory_space<vmem_shared>> -> memref<80x128xf32, #tpu.memory_space<vmem_shared>>
      %dma_start3A_113 = arith.constant 0 : i32
      %dma_start3A_114 = tpu.memref_slice %arg6[%add3A_91, %dma_start3A_113] : memref<10240x128xf32, #tpu.memory_space<vmem_shared>> -> memref<80x128xf32, #tpu.memory_space<vmem_shared>>
      tpu.enqueue_dma source(%dma_start3A_114 : memref<80x128xf32, #tpu.memory_space<vmem_shared>>) target(%arg9 : memref<80x128xf32, #tpu.memory_space<vmem>>) target_semaphore(%run_scoped3A : memref<!tpu.dma_semaphore, #tpu.memory_space<semaphore_mem>>)
      %dma_wait3A = arith.constant 0 : i32
      %dma_wait3A_115 = tpu.memref_slice %arg6[%add3A_91, %dma_wait3A] : memref<10240x128xf32, #tpu.memory_space<vmem_shared>> -> memref<80x128xf32, #tpu.memory_space<vmem_shared>>
      %dma_wait3A_116 = arith.constant 0 : i32
      %dma_wait3A_117 = tpu.memref_slice %arg6[%add3A_91, %dma_wait3A_116] : memref<10240x128xf32, #tpu.memory_space<vmem_shared>> -> memref<80x128xf32, #tpu.memory_space<vmem_shared>>
      tpu.wait_dma2 semaphore(%run_scoped3A : memref<!tpu.dma_semaphore, #tpu.memory_space<semaphore_mem>>) src(%dma_wait3A_117 : memref<80x128xf32, #tpu.memory_space<vmem_shared>>) dst(%arg9 : memref<80x128xf32, #tpu.memory_space<vmem>>)
      tpu.yield
    }) : () -> ()
    %mul3A_92 = arith.constant 640 : i32
    %mul3A_93 = arith.muli %arg1, %mul3A_92 : i32
    %add3A_94 = arith.constant 400 : i32
    %add3A_95 = arith.addi %mul3A_93, %add3A_94 : i32
    "tpu.region"() ({
      %run_scoped3A = tpu.sem_alloc : memref<!tpu.dma_semaphore, #tpu.memory_space<semaphore_mem>>
      %dma_start3A = arith.constant 0 : i32
      %dma_start3A_112 = tpu.memref_slice %arg5[%arg0, %add3A_95, %dma_start3A] : memref<2x10240x128xf32, #tpu.memory_space<hbm>> -> memref<1x80x128xf32, #tpu.memory_space<hbm>>
      %dma_start3A_113 = tpu.memref_squeeze %dma_start3A_112 : memref<1x80x128xf32, #tpu.memory_space<hbm>> -> memref<80x128xf32, #tpu.memory_space<hbm>>
      %dma_start3A_114 = arith.constant 0 : i32
      %dma_start3A_115 = tpu.memref_slice %arg5[%arg0, %add3A_95, %dma_start3A_114] : memref<2x10240x128xf32, #tpu.memory_space<hbm>> -> memref<1x80x128xf32, #tpu.memory_space<hbm>>
      %dma_start3A_116 = tpu.memref_squeeze %dma_start3A_115 : memref<1x80x128xf32, #tpu.memory_space<hbm>> -> memref<80x128xf32, #tpu.memory_space<hbm>>
      tpu.enqueue_dma source(%arg9 : memref<80x128xf32, #tpu.memory_space<vmem>>) target(%dma_start3A_116 : memref<80x128xf32, #tpu.memory_space<hbm>>) target_semaphore(%run_scoped3A : memref<!tpu.dma_semaphore, #tpu.memory_space<semaphore_mem>>)
      %dma_wait3A = arith.constant 0 : i32
      %dma_wait3A_117 = tpu.memref_slice %arg5[%arg0, %add3A_95, %dma_wait3A] : memref<2x10240x128xf32, #tpu.memory_space<hbm>> -> memref<1x80x128xf32, #tpu.memory_space<hbm>>
      %dma_wait3A_118 = tpu.memref_squeeze %dma_wait3A_117 : memref<1x80x128xf32, #tpu.memory_space<hbm>> -> memref<80x128xf32, #tpu.memory_space<hbm>>
      %dma_wait3A_119 = arith.constant 0 : i32
      %dma_wait3A_120 = tpu.memref_slice %arg5[%arg0, %add3A_95, %dma_wait3A_119] : memref<2x10240x128xf32, #tpu.memory_space<hbm>> -> memref<1x80x128xf32, #tpu.memory_space<hbm>>
      %dma_wait3A_121 = tpu.memref_squeeze %dma_wait3A_120 : memref<1x80x128xf32, #tpu.memory_space<hbm>> -> memref<80x128xf32, #tpu.memory_space<hbm>>
      tpu.wait_dma2 semaphore(%run_scoped3A : memref<!tpu.dma_semaphore, #tpu.memory_space<semaphore_mem>>) src(%arg9 : memref<80x128xf32, #tpu.memory_space<vmem>>) dst(%dma_wait3A_121 : memref<80x128xf32, #tpu.memory_space<hbm>>)
      tpu.yield
    }) : () -> ()
    %mul3A_96 = arith.constant 640 : i32
    %mul3A_97 = arith.muli %arg1, %mul3A_96 : i32
    %add3A_98 = arith.constant 480 : i32
    %add3A_99 = arith.addi %mul3A_97, %add3A_98 : i32
    "tpu.region"() ({
      %run_scoped3A = tpu.sem_alloc : memref<!tpu.dma_semaphore, #tpu.memory_space<semaphore_mem>>
      %dma_start3A = arith.constant 0 : i32
      %dma_start3A_112 = tpu.memref_slice %arg6[%add3A_99, %dma_start3A] : memref<10240x128xf32, #tpu.memory_space<vmem_shared>> -> memref<80x128xf32, #tpu.memory_space<vmem_shared>>
      %dma_start3A_113 = arith.constant 0 : i32
      %dma_start3A_114 = tpu.memref_slice %arg6[%add3A_99, %dma_start3A_113] : memref<10240x128xf32, #tpu.memory_space<vmem_shared>> -> memref<80x128xf32, #tpu.memory_space<vmem_shared>>
      tpu.enqueue_dma source(%dma_start3A_114 : memref<80x128xf32, #tpu.memory_space<vmem_shared>>) target(%arg9 : memref<80x128xf32, #tpu.memory_space<vmem>>) target_semaphore(%run_scoped3A : memref<!tpu.dma_semaphore, #tpu.memory_space<semaphore_mem>>)
      %dma_wait3A = arith.constant 0 : i32
      %dma_wait3A_115 = tpu.memref_slice %arg6[%add3A_99, %dma_wait3A] : memref<10240x128xf32, #tpu.memory_space<vmem_shared>> -> memref<80x128xf32, #tpu.memory_space<vmem_shared>>
      %dma_wait3A_116 = arith.constant 0 : i32
      %dma_wait3A_117 = tpu.memref_slice %arg6[%add3A_99, %dma_wait3A_116] : memref<10240x128xf32, #tpu.memory_space<vmem_shared>> -> memref<80x128xf32, #tpu.memory_space<vmem_shared>>
      tpu.wait_dma2 semaphore(%run_scoped3A : memref<!tpu.dma_semaphore, #tpu.memory_space<semaphore_mem>>) src(%dma_wait3A_117 : memref<80x128xf32, #tpu.memory_space<vmem_shared>>) dst(%arg9 : memref<80x128xf32, #tpu.memory_space<vmem>>)
      tpu.yield
    }) : () -> ()
    %mul3A_100 = arith.constant 640 : i32
    %mul3A_101 = arith.muli %arg1, %mul3A_100 : i32
    %add3A_102 = arith.constant 480 : i32
    %add3A_103 = arith.addi %mul3A_101, %add3A_102 : i32
    "tpu.region"() ({
      %run_scoped3A = tpu.sem_alloc : memref<!tpu.dma_semaphore, #tpu.memory_space<semaphore_mem>>
      %dma_start3A = arith.constant 0 : i32
      %dma_start3A_112 = tpu.memref_slice %arg5[%arg0, %add3A_103, %dma_start3A] : memref<2x10240x128xf32, #tpu.memory_space<hbm>> -> memref<1x80x128xf32, #tpu.memory_space<hbm>>
      %dma_start3A_113 = tpu.memref_squeeze %dma_start3A_112 : memref<1x80x128xf32, #tpu.memory_space<hbm>> -> memref<80x128xf32, #tpu.memory_space<hbm>>
      %dma_start3A_114 = arith.constant 0 : i32
      %dma_start3A_115 = tpu.memref_slice %arg5[%arg0, %add3A_103, %dma_start3A_114] : memref<2x10240x128xf32, #tpu.memory_space<hbm>> -> memref<1x80x128xf32, #tpu.memory_space<hbm>>
      %dma_start3A_116 = tpu.memref_squeeze %dma_start3A_115 : memref<1x80x128xf32, #tpu.memory_space<hbm>> -> memref<80x128xf32, #tpu.memory_space<hbm>>
      tpu.enqueue_dma source(%arg9 : memref<80x128xf32, #tpu.memory_space<vmem>>) target(%dma_start3A_116 : memref<80x128xf32, #tpu.memory_space<hbm>>) target_semaphore(%run_scoped3A : memref<!tpu.dma_semaphore, #tpu.memory_space<semaphore_mem>>)
      %dma_wait3A = arith.constant 0 : i32
      %dma_wait3A_117 = tpu.memref_slice %arg5[%arg0, %add3A_103, %dma_wait3A] : memref<2x10240x128xf32, #tpu.memory_space<hbm>> -> memref<1x80x128xf32, #tpu.memory_space<hbm>>
      %dma_wait3A_118 = tpu.memref_squeeze %dma_wait3A_117 : memref<1x80x128xf32, #tpu.memory_space<hbm>> -> memref<80x128xf32, #tpu.memory_space<hbm>>
      %dma_wait3A_119 = arith.constant 0 : i32
      %dma_wait3A_120 = tpu.memref_slice %arg5[%arg0, %add3A_103, %dma_wait3A_119] : memref<2x10240x128xf32, #tpu.memory_space<hbm>> -> memref<1x80x128xf32, #tpu.memory_space<hbm>>
      %dma_wait3A_121 = tpu.memref_squeeze %dma_wait3A_120 : memref<1x80x128xf32, #tpu.memory_space<hbm>> -> memref<80x128xf32, #tpu.memory_space<hbm>>
      tpu.wait_dma2 semaphore(%run_scoped3A : memref<!tpu.dma_semaphore, #tpu.memory_space<semaphore_mem>>) src(%arg9 : memref<80x128xf32, #tpu.memory_space<vmem>>) dst(%dma_wait3A_121 : memref<80x128xf32, #tpu.memory_space<hbm>>)
      tpu.yield
    }) : () -> ()
    %mul3A_104 = arith.constant 640 : i32
    %mul3A_105 = arith.muli %arg1, %mul3A_104 : i32
    %add3A_106 = arith.constant 560 : i32
    %add3A_107 = arith.addi %mul3A_105, %add3A_106 : i32
    "tpu.region"() ({
      %run_scoped3A = tpu.sem_alloc : memref<!tpu.dma_semaphore, #tpu.memory_space<semaphore_mem>>
      %dma_start3A = arith.constant 0 : i32
      %dma_start3A_112 = tpu.memref_slice %arg6[%add3A_107, %dma_start3A] : memref<10240x128xf32, #tpu.memory_space<vmem_shared>> -> memref<80x128xf32, #tpu.memory_space<vmem_shared>>
      %dma_start3A_113 = arith.constant 0 : i32
      %dma_start3A_114 = tpu.memref_slice %arg6[%add3A_107, %dma_start3A_113] : memref<10240x128xf32, #tpu.memory_space<vmem_shared>> -> memref<80x128xf32, #tpu.memory_space<vmem_shared>>
      tpu.enqueue_dma source(%dma_start3A_114 : memref<80x128xf32, #tpu.memory_space<vmem_shared>>) target(%arg9 : memref<80x128xf32, #tpu.memory_space<vmem>>) target_semaphore(%run_scoped3A : memref<!tpu.dma_semaphore, #tpu.memory_space<semaphore_mem>>)
      %dma_wait3A = arith.constant 0 : i32
      %dma_wait3A_115 = tpu.memref_slice %arg6[%add3A_107, %dma_wait3A] : memref<10240x128xf32, #tpu.memory_space<vmem_shared>> -> memref<80x128xf32, #tpu.memory_space<vmem_shared>>
      %dma_wait3A_116 = arith.constant 0 : i32
      %dma_wait3A_117 = tpu.memref_slice %arg6[%add3A_107, %dma_wait3A_116] : memref<10240x128xf32, #tpu.memory_space<vmem_shared>> -> memref<80x128xf32, #tpu.memory_space<vmem_shared>>
      tpu.wait_dma2 semaphore(%run_scoped3A : memref<!tpu.dma_semaphore, #tpu.memory_space<semaphore_mem>>) src(%dma_wait3A_117 : memref<80x128xf32, #tpu.memory_space<vmem_shared>>) dst(%arg9 : memref<80x128xf32, #tpu.memory_space<vmem>>)
      tpu.yield
    }) : () -> ()
    %mul3A_108 = arith.constant 640 : i32
    %mul3A_109 = arith.muli %arg1, %mul3A_108 : i32
    %add3A_110 = arith.constant 560 : i32
    %add3A_111 = arith.addi %mul3A_109, %add3A_110 : i32
    "tpu.region"() ({
      %run_scoped3A = tpu.sem_alloc : memref<!tpu.dma_semaphore, #tpu.memory_space<semaphore_mem>>
      %dma_start3A = arith.constant 0 : i32
      %dma_start3A_112 = tpu.memref_slice %arg5[%arg0, %add3A_111, %dma_start3A] : memref<2x10240x128xf32, #tpu.memory_space<hbm>> -> memref<1x80x128xf32, #tpu.memory_space<hbm>>
      %dma_start3A_113 = tpu.memref_squeeze %dma_start3A_112 : memref<1x80x128xf32, #tpu.memory_space<hbm>> -> memref<80x128xf32, #tpu.memory_space<hbm>>
      %dma_start3A_114 = arith.constant 0 : i32
      %dma_start3A_115 = tpu.memref_slice %arg5[%arg0, %add3A_111, %dma_start3A_114] : memref<2x10240x128xf32, #tpu.memory_space<hbm>> -> memref<1x80x128xf32, #tpu.memory_space<hbm>>
      %dma_start3A_116 = tpu.memref_squeeze %dma_start3A_115 : memref<1x80x128xf32, #tpu.memory_space<hbm>> -> memref<80x128xf32, #tpu.memory_space<hbm>>
      tpu.enqueue_dma source(%arg9 : memref<80x128xf32, #tpu.memory_space<vmem>>) target(%dma_start3A_116 : memref<80x128xf32, #tpu.memory_space<hbm>>) target_semaphore(%run_scoped3A : memref<!tpu.dma_semaphore, #tpu.memory_space<semaphore_mem>>)
      %dma_wait3A = arith.constant 0 : i32
      %dma_wait3A_117 = tpu.memref_slice %arg5[%arg0, %add3A_111, %dma_wait3A] : memref<2x10240x128xf32, #tpu.memory_space<hbm>> -> memref<1x80x128xf32, #tpu.memory_space<hbm>>
      %dma_wait3A_118 = tpu.memref_squeeze %dma_wait3A_117 : memref<1x80x128xf32, #tpu.memory_space<hbm>> -> memref<80x128xf32, #tpu.memory_space<hbm>>
      %dma_wait3A_119 = arith.constant 0 : i32
      %dma_wait3A_120 = tpu.memref_slice %arg5[%arg0, %add3A_111, %dma_wait3A_119] : memref<2x10240x128xf32, #tpu.memory_space<hbm>> -> memref<1x80x128xf32, #tpu.memory_space<hbm>>
      %dma_wait3A_121 = tpu.memref_squeeze %dma_wait3A_120 : memref<1x80x128xf32, #tpu.memory_space<hbm>> -> memref<80x128xf32, #tpu.memory_space<hbm>>
      tpu.wait_dma2 semaphore(%run_scoped3A : memref<!tpu.dma_semaphore, #tpu.memory_space<semaphore_mem>>) src(%arg9 : memref<80x128xf32, #tpu.memory_space<vmem>>) dst(%dma_wait3A_121 : memref<80x128xf32, #tpu.memory_space<hbm>>)
      tpu.yield
    }) : () -> ()
    return
  }
}

module attributes {stable_mosaic.version = 14 : i64} {
  func.func @body(%arg0: i32, %arg1: memref<1000x128xf32, #tpu.memory_space<vmem>>, %arg2: memref<128x128xf32, #tpu.memory_space<vmem>>, %arg3: memref<1x1000x1xf32, #tpu.memory_space<vmem>>, %arg4: memref<1000x128xf32, #tpu.memory_space<vmem>>) attributes {dimension_semantics = [#tpu.dimension_semantics<arbitrary>], iteration_bounds = array<i64: 24>, scalar_prefetch = 0 : i64, scratch_operands = 0 : i64, tpu.core_type = #tpu.core_type<tc>, window_params = [{transform_indices = @transform_0, window_bounds = array<i64: 1000, 128>}, {pipeline_mode = #tpu.pipeline_mode<synchronous>, transform_indices = @transform_1, window_bounds = array<i64: 128, 128>}, {transform_indices = @transform_2, window_bounds = array<i64: 1, 1000, 1>}, {transform_indices = @transform_3, window_bounds = array<i64: 1000, 128>}]} {
    %get3A = arith.constant 0 : index
    %get3A_0 = arith.constant 0 : index
    %get3A_1 = vector.load %arg1[%get3A, %get3A_0] : memref<1000x128xf32, #tpu.memory_space<vmem>>, vector<1000x128xf32>
    %get3A_2 = arith.constant 0 : index
    %get3A_3 = arith.constant 0 : index
    %get3A_4 = vector.load %arg2[%get3A_2, %get3A_3] : memref<128x128xf32, #tpu.memory_space<vmem>>, vector<128x128xf32>
    %dot_general3A = arith.constant dense<0.000000e+00> : vector<1000x128xf32>
    %dot_general3A_5 = tpu.matmul %get3A_1, %get3A_4, %dot_general3A {dimension_numbers = #tpu.dot_dimension_numbers<[1], [0], [0], [1], [0, 0, 1, 1], [], []>, transpose_lhs_hint = false} : vector<1000x128xf32>, vector<128x128xf32>, vector<1000x128xf32> -> vector<1000x128xf32>
    %get3A_6 = arith.constant 0 : index
    %get3A_7 = arith.constant 0 : index
    %get3A_8 = arith.constant 0 : index
    %get3A_9 = vector.load %arg3[%get3A_6, %get3A_7, %get3A_8] : memref<1x1000x1xf32, #tpu.memory_space<vmem>>, vector<1x1000x1xf32>
    %add3A = arith.constant 1.000000e+00 : f32
    %add3A_10 = vector.broadcast %add3A : f32 to vector<1x1000x1xf32>
    %add3A_11 = arith.addf %get3A_9, %add3A_10 : vector<1x1000x1xf32>
    %rsqrt3A = math.rsqrt %add3A_11 : vector<1x1000x1xf32>
    %lt3A = arith.constant 20 : i32
    %lt3A_12 = arith.cmpi slt, %arg0, %lt3A : i32
    %squeeze3A = vector.shape_cast %rsqrt3A : vector<1x1000x1xf32> to vector<1000x1xf32>
    %mul3A = vector.broadcast %squeeze3A : vector<1000x1xf32> to vector<1000x128xf32>
    %mul3A_13 = arith.mulf %dot_general3A_5, %mul3A : vector<1000x128xf32>
    %jit3A = arith.constant 0.000000e+00 : f32
    %broadcast_in_dim3A = vector.broadcast %jit3A : f32 to vector<1000x128xf32>
    %select_n3A = arith.select %lt3A_12, %mul3A_13, %broadcast_in_dim3A : vector<1000x128xf32>
    %swap3A = arith.constant 0 : index
    %swap3A_14 = arith.constant 0 : index
    %swap3A_15 = vector.load %arg4[%swap3A, %swap3A_14] : memref<1000x128xf32, #tpu.memory_space<vmem>>, vector<1000x128xf32>
    tpu.vector_store %arg4[%swap3A, %swap3A_14], %select_n3A {strides = array<i32>} : memref<1000x128xf32, #tpu.memory_space<vmem>>, vector<1000x128xf32>,
    return
  }
  func.func @transform_0(%arg0: i32) -> (i32, i32) {
    %jit3A = arith.constant 10 : i32
    %eq3A = arith.constant 0 : i32
    %eq3A_0 = arith.cmpi eq, %jit3A, %eq3A : i32
    %jit3A_1 = arith.constant 1 : i32
    %select_n3A = arith.select %eq3A_0, %jit3A_1, %jit3A : i32
    %rem3A = arith.remsi %arg0, %select_n3A : i32
    %ne3A = arith.constant 0 : i32
    %ne3A_2 = arith.cmpi ne, %rem3A, %ne3A : i32
    %lt3A = arith.constant 0 : i32
    %lt3A_3 = arith.cmpi slt, %rem3A, %lt3A : i32
    %lt3A_4 = arith.constant 0 : i32
    %lt3A_5 = arith.cmpi slt, %select_n3A, %lt3A_4 : i32
    %ne3A_6 = arith.xori %lt3A_3, %lt3A_5 : i1
    %and3A = arith.andi %ne3A_6, %ne3A_2 : i1
    %add3A = arith.addi %rem3A, %select_n3A : i32
    %select_n3A_7 = arith.select %and3A, %add3A, %rem3A : i32
    %c0_i32 = arith.constant 0 : i32
    %c0_i32_8 = arith.constant 0 : i32
    return %select_n3A_7, %c0_i32 : i32, i32
  }
  func.func @transform_1(%arg0: i32) -> (i32, i32) {
    %c0_i32 = arith.constant 0 : i32
    %c0_i32_0 = arith.constant 0 : i32
    %c0_i32_1 = arith.constant 0 : i32
    return %c0_i32, %c0_i32_0 : i32, i32
  }
  func.func @transform_2(%arg0: i32) -> (i32, i32, i32) {
    %jit3A = arith.constant 10 : i32
    %div3A = arith.divsi %arg0, %jit3A : i32
    %sign3A = arith.constant 0 : i32
    %sign3A_0 = arith.cmpi sgt, %arg0, %sign3A : i32
    %sign3A_1 = arith.extui %sign3A_0 : i1 to i32
    %sign3A_2 = arith.constant 0 : i32
    %sign3A_3 = arith.cmpi slt, %arg0, %sign3A_2 : i32
    %sign3A_4 = arith.extui %sign3A_3 : i1 to i32
    %sign3A_5 = arith.subi %sign3A_1, %sign3A_4 : i32
    %sign3A_6 = arith.constant 0 : i32
    %sign3A_7 = arith.cmpi sgt, %jit3A, %sign3A_6 : i32
    %sign3A_8 = arith.extui %sign3A_7 : i1 to i32
    %sign3A_9 = arith.constant 0 : i32
    %sign3A_10 = arith.cmpi slt, %jit3A, %sign3A_9 : i32
    %sign3A_11 = arith.extui %sign3A_10 : i1 to i32
    %sign3A_12 = arith.subi %sign3A_8, %sign3A_11 : i32
    %ne3A = arith.cmpi ne, %sign3A_5, %sign3A_12 : i32
    %rem3A = arith.remsi %arg0, %jit3A : i32
    %ne3A_13 = arith.constant 0 : i32
    %ne3A_14 = arith.cmpi ne, %rem3A, %ne3A_13 : i32
    %and3A = arith.andi %ne3A, %ne3A_14 : i1
    %sub3A = arith.constant 1 : i32
    %sub3A_15 = arith.subi %div3A, %sub3A : i32
    %select_n3A = arith.select %and3A, %sub3A_15, %div3A : i32
    %min3A = arith.constant 1 : i32
    %min3A_16 = arith.minsi %select_n3A, %min3A : i32
    %jit3A_17 = arith.constant 10 : i32
    %eq3A = arith.constant 0 : i32
    %eq3A_18 = arith.cmpi eq, %jit3A_17, %eq3A : i32
    %jit3A_19 = arith.constant 1 : i32
    %select_n3A_20 = arith.select %eq3A_18, %jit3A_19, %jit3A_17 : i32
    %rem3A_21 = arith.remsi %arg0, %select_n3A_20 : i32
    %ne3A_22 = arith.constant 0 : i32
    %ne3A_23 = arith.cmpi ne, %rem3A_21, %ne3A_22 : i32
    %lt3A = arith.constant 0 : i32
    %lt3A_24 = arith.cmpi slt, %rem3A_21, %lt3A : i32
    %lt3A_25 = arith.constant 0 : i32
    %lt3A_26 = arith.cmpi slt, %select_n3A_20, %lt3A_25 : i32
    %ne3A_27 = arith.xori %lt3A_24, %lt3A_26 : i1
    %and3A_28 = arith.andi %ne3A_27, %ne3A_23 : i1
    %add3A = arith.addi %rem3A_21, %select_n3A_20 : i32
    %select_n3A_29 = arith.select %and3A_28, %add3A, %rem3A_21 : i32
    %c0_i32 = arith.constant 0 : i32
    %c0_i32_30 = arith.constant 0 : i32
    return %min3A_16, %select_n3A_29, %c0_i32 : i32, i32, i32
  }
  func.func @transform_3(%arg0: i32) -> (i32, i32) {
    %c0_i32 = arith.constant 0 : i32
    %c0_i32_0 = arith.constant 0 : i32
    return %arg0, %c0_i32 : i32, i32
  }
}

module attributes {stable_mosaic.version = 14 : i64} {
  func.func @body(%arg0: i32, %arg1: memref<2x1000x128xf32, #tpu.memory_space<vmem>>, %arg2: memref<1000x128xf32, #tpu.memory_space<vmem>>, %arg3: memref<1000x128xf32, #tpu.memory_space<vmem>>, %arg4: memref<2x1000x1xf32, #tpu.memory_space<vmem>>, %arg5: memref<1x128xf32, #tpu.memory_space<vmem>>, %arg6: memref<1000x128xf32, #tpu.memory_space<vmem>>, %arg7: memref<1000x128xf32, #tpu.memory_space<vmem>>) attributes {dimension_semantics = [#tpu.dimension_semantics<arbitrary>], iteration_bounds = array<i64: 10>, scalar_prefetch = 0 : i64, scratch_operands = 0 : i64, tpu.core_type = #tpu.core_type<tc>, window_params = [{transform_indices = @transform_0, window_bounds = array<i64: 2, 1000, 128>}, {transform_indices = @transform_1, window_bounds = array<i64: 1000, 128>}, {transform_indices = @transform_2, window_bounds = array<i64: 1000, 128>}, {transform_indices = @transform_3, window_bounds = array<i64: 2, 1000, 1>}, {pipeline_mode = #tpu.pipeline_mode<synchronous>, transform_indices = @transform_4, window_bounds = array<i64: 1, 128>}, {transform_indices = @transform_5, window_bounds = array<i64: 1000, 128>}, {transform_indices = @transform_6, window_bounds = array<i64: 1000, 128>}]} {
    %get3A = arith.constant 0 : index
    %get3A_0 = arith.constant 0 : index
    %get3A_1 = arith.constant 0 : index
    %get3A_2 = vector.load %arg4[%get3A, %get3A_0, %get3A_1] : memref<2x1000x1xf32, #tpu.memory_space<vmem>>, vector<2x1000x1xf32>
    %add3A = arith.constant 1.000000e+00 : f32
    %add3A_3 = vector.broadcast %add3A : f32 to vector<2x1000x1xf32>
    %add3A_4 = arith.addf %get3A_2, %add3A_3 : vector<2x1000x1xf32>
    %rsqrt3A = math.rsqrt %add3A_4 : vector<2x1000x1xf32>
    %get3A_5 = arith.constant 0 : index
    %get3A_6 = arith.constant 0 : index
    %get3A_7 = vector.load %arg2[%get3A_5, %get3A_6] : memref<1000x128xf32, #tpu.memory_space<vmem>>, vector<1000x128xf32>
    %get3A_8 = arith.constant 0 : index
    %get3A_9 = arith.constant 0 : index
    %get3A_10 = vector.load %arg3[%get3A_8, %get3A_9] : memref<1000x128xf32, #tpu.memory_space<vmem>>, vector<1000x128xf32>
    %stack3A = vector.shape_cast %get3A_7 : vector<1000x128xf32> to vector<1x1000x128xf32>
    %stack3A_11 = vector.shape_cast %get3A_10 : vector<1000x128xf32> to vector<1x1000x128xf32>
    %stack3A_12 = tpu.concatenate %stack3A, %stack3A_11 in 0 : vector<1x1000x128xf32>, vector<1x1000x128xf32> -> vector<2x1000x128xf32>
    %get3A_13 = arith.constant 0 : index
    %get3A_14 = arith.constant 0 : index
    %get3A_15 = arith.constant 0 : index
    %get3A_16 = vector.load %arg1[%get3A_13, %get3A_14, %get3A_15] : memref<2x1000x128xf32, #tpu.memory_space<vmem>>, vector<2x1000x128xf32>
    %add3A_17 = arith.addf %get3A_16, %stack3A_12 : vector<2x1000x128xf32>
    %mul3A = vector.broadcast %rsqrt3A : vector<2x1000x1xf32> to vector<2x1000x128xf32>
    %mul3A_18 = arith.mulf %mul3A, %add3A_17 : vector<2x1000x128xf32>
    %get3A_19 = arith.constant 0 : index
    %get3A_20 = arith.constant 0 : index
    %get3A_21 = vector.load %arg5[%get3A_19, %get3A_20] : memref<1x128xf32, #tpu.memory_space<vmem>>, vector<1x128xf32>
    %broadcast_in_dim3A = vector.shape_cast %get3A_21 : vector<1x128xf32> to vector<1x1x128xf32>
    %add3A_22 = vector.broadcast %broadcast_in_dim3A : vector<1x1x128xf32> to vector<2x1000x128xf32>
    %add3A_23 = arith.addf %mul3A_18, %add3A_22 : vector<2x1000x128xf32>
    %max3A = arith.constant 0.000000e+00 : f32
    %max3A_24 = vector.broadcast %max3A : f32 to vector<2x1000x128xf32>
    %max3A_25 = arith.maximumf %add3A_23, %max3A_24 : vector<2x1000x128xf32>
    %slice3A = vector.extract_strided_slice %max3A_25 {offsets = [0, 0, 0], sizes = [1, 1000, 128], strides = [1, 1, 1]} : vector<2x1000x128xf32> to vector<1x1000x128xf32>
    %squeeze3A = vector.shape_cast %slice3A : vector<1x1000x128xf32> to vector<1000x128xf32>
    %swap3A = arith.constant 0 : index
    %swap3A_26 = arith.constant 0 : index
    %swap3A_27 = vector.load %arg6[%swap3A, %swap3A_26] : memref<1000x128xf32, #tpu.memory_space<vmem>>, vector<1000x128xf32>
    tpu.vector_store %arg6[%swap3A, %swap3A_26], %squeeze3A {strides = array<i32>} : memref<1000x128xf32, #tpu.memory_space<vmem>>, vector<1000x128xf32>,
    %slice3A_28 = vector.extract_strided_slice %max3A_25 {offsets = [1, 0, 0], sizes = [1, 1000, 128], strides = [1, 1, 1]} : vector<2x1000x128xf32> to vector<1x1000x128xf32>
    %squeeze3A_29 = vector.shape_cast %slice3A_28 : vector<1x1000x128xf32> to vector<1000x128xf32>
    %swap3A_30 = arith.constant 0 : index
    %swap3A_31 = arith.constant 0 : index
    %swap3A_32 = vector.load %arg7[%swap3A_30, %swap3A_31] : memref<1000x128xf32, #tpu.memory_space<vmem>>, vector<1000x128xf32>
    tpu.vector_store %arg7[%swap3A_30, %swap3A_31], %squeeze3A_29 {strides = array<i32>} : memref<1000x128xf32, #tpu.memory_space<vmem>>, vector<1000x128xf32>,
    return
  }
  func.func @transform_0(%arg0: i32) -> (i32, i32, i32) {
    %c0_i32 = arith.constant 0 : i32
    %c0_i32_0 = arith.constant 0 : i32
    %c0_i32_1 = arith.constant 0 : i32
    return %c0_i32, %arg0, %c0_i32_0 : i32, i32, i32
  }
  func.func @transform_1(%arg0: i32) -> (i32, i32) {
    %c0_i32 = arith.constant 0 : i32
    %c0_i32_0 = arith.constant 0 : i32
    return %arg0, %c0_i32 : i32, i32
  }
  func.func @transform_2(%arg0: i32) -> (i32, i32) {
    %add3A = arith.constant 10 : i32
    %add3A_0 = arith.addi %arg0, %add3A : i32
    %c0_i32 = arith.constant 0 : i32
    %c0_i32_1 = arith.constant 0 : i32
    return %add3A_0, %c0_i32 : i32, i32
  }
  func.func @transform_3(%arg0: i32) -> (i32, i32, i32) {
    %c0_i32 = arith.constant 0 : i32
    %c0_i32_0 = arith.constant 0 : i32
    %c0_i32_1 = arith.constant 0 : i32
    return %c0_i32, %arg0, %c0_i32_0 : i32, i32, i32
  }
  func.func @transform_4(%arg0: i32) -> (i32, i32) {
    %c0_i32 = arith.constant 0 : i32
    %c0_i32_0 = arith.constant 0 : i32
    %c0_i32_1 = arith.constant 0 : i32
    return %c0_i32, %c0_i32_0 : i32, i32
  }
  func.func @transform_5(%arg0: i32) -> (i32, i32) {
    %c0_i32 = arith.constant 0 : i32
    %c0_i32_0 = arith.constant 0 : i32
    return %arg0, %c0_i32 : i32, i32
  }
  func.func @transform_6(%arg0: i32) -> (i32, i32) {
    %c0_i32 = arith.constant 0 : i32
    %c0_i32_0 = arith.constant 0 : i32
    return %arg0, %c0_i32 : i32, i32
  }
}

</mosaic_0001>

<sc_bundles>
// kernel: kernel.6.cloned.1.call-start
scs
__scs_entry_jumppad:
0x0: {  	(pc) =	sbr.rel $0x88, $3  }
0x1: {  	(tag) =	ssettag $0x0;
	lr =	simm.s32 $0x1  }
0x2: {  	[smem:$0x3F9C] =	sst lr;
	_ =	strace $0xD0000000  }
0x3: {  	_ = 	snop  }
0x4: {  	_ = 	snop  }
0x5: {  	_ = 	snop  }
0x6: {  	_ = 	snop  }
0x7: {  	_ = 	snop  }
__scs_overlays_trampoline_lowered:
0x8: {  	[smem:$0x3FAB] =	sst s0  }
0x9: {  	[smem:$0x3FAC] =	sst s1  }
0xa: {  	[smem:$0x3FAD] =	sst s2  }
0xb: {  	[smem:$0x3FAE] =	sst s3  }
0xc: {  	[smem:$0x3FAF] =	sst s4  }
0xd: {  	[smem:$0x3FB0] =	sst s5  }
0xe: {  	[smem:$0x3FB1] =	sst s6  }
0xf: {  	[smem:$0x3FB2] =	sst s7  }
0x10: {  	[smem:$0x3FB3] =	sst s8  }
0x11: {  	[smem:$0x3FB4] =	sst s9;
	s0 =	simm.s32 @!p0 $0x0  }
0x12: {  	s1 =	sld [smem:$0x3F9A];
	s0 =	simm.s32 @p0 $0x1  }
0x13: {  	[smem:$0x3FB5] =	sst s0;
	s0 =	simm.s32 @!p1 $0x0  }
0x14: {  	s2 =	sld [smem:$0x3F99];
	s0 =	simm.s32 @p1 $0x1  }
0x15: {  	[smem:$0x3FB6] =	sst s0;
	s0 =	simm.s32 @!p2 $0x0  }
0x16: {  	s3 =	sld [smem:$0x3FDB];
	s0 =	simm.s32 @p2 $0x1  }
0x17: {  	s4 =	simm.s32 $0x1BF5;
	[smem:$0x3FB8] =	sst s0  }
0x18: {  	s0 =	sld [smem:$0x3F9B];
	_ =	swait.ge [sflag:s4], $0x0  }
0x19: {  	s7 =	sld [smem:$0x3F9C]  }
0x1a: {  	s8 =	sadd.s32 $0xFFFFE003, lr  }
0x1b: {  	s9 =	sadd.s32 $0xFFFFFEF7, lr;
	s5 =	simm.s32 $0xFFFFFFFF;
	p2 =	slt.u32 s8, $0xFFFFF086  }
0x1c: {  	p1 =	slt.u32 s9, $0xF7A;
	s5 =	simm.s32 @!p2 $0x0  }
0x1d: {  	s5 =	simm.s32 @p1 $0x1;
	p0 =	seq.s32 s7, s2  }
0x1e: {  	s7 =	smul.u32 @!p0 $0xF7A, s2;
	p2 =	seq.s32 @!p0 s5, $0x0  }
0x1f: {  	s9 =	smul.u32 $0xF7A, s1;
	s8 =	simm.s32 @!p0 $0x1BF5;
	p2 =	por !p2, p0  }
0x20: {  	[sflag:s8] =	ssyncset.s32 @!p0 $0xFFFFF086;
	s6 =	sadd.s32 @!p0 s3, s7;
	s7 =	simm.s32 @!p0 $0x108  }
0x21: {  	s3 =	sadd.s32 s3, s9;
	s6 =	sadd.s32 @!p0 $0x88, s6;
	s7 =	simm.s32 @p2 $0x1082  }
0x22: {  	[simem:s7], [sflag:s8] =	dma.local @!p0 [hbm:s6], $0xF7A  }
0x23: {  	s9 =	sor.u32 $0xD0000000, s2;
	s6 =	simm.s32 $0x108;
	_ =	swait.ge @!p0 [sflag:s8], $0x0  }
0x24: {  	s3 =	sadd.s32 $0x88, s3;
	s6 =	simm.s32 @!p1 $0x1082;
	[sflag:s4] =	ssyncset.s32 $0xFFFFF086  }
0x25: {  	[simem:s6], [sflag:s4] =	dma.local [hbm:s3], $0xF7A  }
0x26: {  	[smem:$0x3F9C] =	sst s1;
	(tag) =	ssettag s2;
	_ =	strace s9  }
0x27: {  	s1 =	sld [smem:$0x3FAC]  }
0x28: {  	s2 =	sld [smem:$0x3FAD]  }
0x29: {  	s4 =	sld [smem:$0x3FAF]  }
0x2a: {  	p0 =	seq.s32 s5, $0x0;
	s5 =	sld [smem:$0x3FB0]  }
0x2b: {  	s6 =	sld [smem:$0x3FB1]  }
0x2c: {  	s7 =	sld [smem:$0x3FB2]  }
0x2d: {  	s3 =	simm.s32 $0x108;
	s8 =	sld [smem:$0x3FB3]  }
0x2e: {  	s3 =	simm.s32 @!p0 $0x1082;
	s9 =	sld [smem:$0x3FB4]  }
0x2f: {  	lr =	sadd.s32 s0, s3;
	s0 =	sld [smem:$0x3FAB]  }
0x30: {  	s3 =	sld [smem:$0x3FAE]  }
0x31: {  	[smem:$0x3FB7] =	sst s10  }
0x32: {  	s10 =	sld [smem:$0x3FB5];
	_ =	sdelay $0x3  }
0x33: {  	p0 =	seq.s32 s10, $0x1;
	s10 =	sld [smem:$0x3FB7];
	_ =	sdelay $0x3  }
0x34: {  	[smem:$0x3FB7] =	sst s10  }
0x35: {  	s10 =	sld [smem:$0x3FB6];
	_ =	sdelay $0x3  }
0x36: {  	p1 =	seq.s32 s10, $0x1;
	s10 =	sld [smem:$0x3FB7];
	_ =	sdelay $0x3  }
0x37: {  	[smem:$0x3FB7] =	sst s10  }
0x38: {  	s10 =	sld [smem:$0x3FB8]  }
0x39: {  	_ = 	snop;
	(pc) =	sbr.ind lr, $3  }
0x3a: {  	_ = 	snop  }
0x3b: {  	_ = 	snop  }
0x3c: {  	p2 =	seq.s32 s10, $0x1;
	s10 =	sld [smem:$0x3FB7]  }
0x3d: {  	_ =	shalt  }
0x3e: {  	_ =	shalt  }
0x3f: {  	_ =	shalt  }
0x40: {  	_ =	shalt  }
0x41: {  	_ =	shalt  }
0x42: {  	_ =	shalt  }
0x43: {  	_ =	shalt  }
0x44: {  	_ =	shalt  }
0x45: {  	_ =	shalt  }
0x46: {  	_ =	shalt  }
0x47: {  	_ =	shalt  }
0x48: {  	_ =	shalt  }
0x49: {  	_ =	shalt  }
0x4a: {  	_ =	shalt  }
0x4b: {  	_ =	shalt  }
0x4c: {  	_ =	shalt  }
0x4d: {  	_ =	shalt  }
0x4e: {  	_ =	shalt  }
0x4f: {  	_ =	shalt  }
0x50: {  	_ =	shalt  }
0x51: {  	_ =	shalt  }
0x52: {  	_ =	shalt  }
0x53: {  	_ =	shalt  }
0x54: {  	_ =	shalt  }
0x55: {  	_ =	shalt  }
0x56: {  	_ =	shalt  }
0x57: {  	_ =	shalt  }
0x58: {  	_ =	shalt  }
0x59: {  	_ =	shalt  }
0x5a: {  	_ =	shalt  }
0x5b: {  	_ =	shalt  }
0x5c: {  	_ =	shalt  }
0x5d: {  	_ =	shalt  }
0x5e: {  	_ =	shalt  }
0x5f: {  	_ =	shalt  }
0x60: {  	_ =	shalt  }
0x61: {  	_ =	shalt  }
0x62: {  	_ =	shalt  }
0x63: {  	_ =	shalt  }
0x64: {  	_ =	shalt  }
0x65: {  	_ =	shalt  }
0x66: {  	_ =	shalt  }
0x67: {  	_ =	shalt  }
0x68: {  	_ =	shalt  }
0x69: {  	_ =	shalt  }
0x6a: {  	_ =	shalt  }
0x6b: {  	_ =	shalt  }
0x6c: {  	_ =	shalt  }
0x6d: {  	_ =	shalt  }
0x6e: {  	_ =	shalt  }
0x6f: {  	_ =	shalt  }
0x70: {  	_ =	shalt  }
0x71: {  	_ =	shalt  }
0x72: {  	_ =	shalt  }
0x73: {  	_ =	shalt  }
0x74: {  	_ =	shalt  }
0x75: {  	_ =	shalt  }
0x76: {  	_ =	shalt  }
0x77: {  	_ =	shalt  }
0x78: {  	_ =	shalt  }
0x79: {  	_ =	shalt  }
0x7a: {  	_ =	shalt  }
0x7b: {  	_ =	shalt  }
0x7c: {  	_ =	shalt  }
0x7d: {  	_ =	shalt  }
0x7e: {  	_ =	shalt  }
0x7f: {  	_ =	shalt  }
0x80: {  	_ =	shalt  }
0x81: {  	_ =	shalt  }
0x82: {  	_ =	shalt  }
0x83: {  	_ =	shalt  }
0x84: {  	_ =	shalt  }
0x85: {  	_ =	shalt  }
0x86: {  	_ =	shalt  }
0x87: {  	_ =	shalt  }
.Lfunc_end0:
.L_simem_size_0:
called_computation_lowered:
.L_overlay_start_0:
0x88: {  	s2 =	sld [smem:$0x3FD9]  }
0x89: {  	s3 =	sld [smem:$0x3FFE];
	_ =	sdelay $0x1  }
0x8a: {  	s1 =	srdreg.scid  }
0x8b: {  	s0 =	sand.u32 $0x1, s1  }
0x8c: {  	s16 =	sshll.u32 s0, $0xA;
	s2 =	sadd.s32 s3, s2  }
0x8d: {  	s2 =	sadd.s32 s2, s16  }
0x8e: {  	[smem:$0x3FC3] =	sst s2  }
0x8f: {  	_ = 	snop  }
0x90: {  	(tm) =	ssettm $0x1  }
0x91: {  	s17 =	sld [smem:$0x3FFB];
	_ =	sdelay $0x3  }
0x92: {  	_ =	strace s17  }
0x93: {  	s2 =	sld [smem:$0x3FFC];
	_ =	sdelay $0x3  }
0x94: {  	_ =	strace s2  }
0x95: {  	s2 =	sld [smem:$0x3FFD];
	_ =	sdelay $0x3  }
0x96: {  	_ =	strace s2  }
0x97: {  	_ =	strace $0x8FFFFFFF  }
0x98: {  	s18 =	sld [smem:$0x3FDB];
	_ =	sdelay $0x1  }
0x99: {  	s19 =	simm.s32 $_scs_section_size  }
0x9a: {  	s4 =	simm.s32 $_size__tile_overlayer_lowered;
	s5 =	simm.s32 $_tile_overlayer_lowered  }
0x9b: {  	s22 =	simm.s32 $0x1BFF;
	s21 =	sshll.u32 s5, $0x1;
	s2 =	sadd.s32 s19, s18  }
0x9c: {  	s6 =	simm.s32 $0x0;
	s20 =	sshll.u32 s4, $0x1;
	s4 =	sadd.s32 s21, s2  }
0x9d: {  	[timem:s6], [sflag:s22] =	dma.local [hbm:s4], s20  }
0x9e: {  	_ =	swait.ge [sflag:s22], s20  }
0x9f: {  	s3 =	ssub.s32 $0x0, s20;
	[sflag:s22] =	ssyncset.done $0x0  }
0xa0: {  	[sflag:s22] =	ssyncadd.s32 s3;
	_ =	sdelay $0x1  }
0xa1: {  	s23 =	simm.s32 $0x1B8B  }
0xa2: {  	_ =	swait.ge [sflag:s23], $0x1  }
0xa3: {  	[sflag:s23] =	ssyncset.done $0x0  }
0xa4: {  	s25 =	simm.s32 $0x1B8E;
	s24 =	sld [smem:$0x3FFE];
	[sflag:s23] =	ssyncadd.s32 $0xFFFFFFFF  }
0xa5: {  	s26 =	simm.s32 $execute0_lowered;
	[smem:$0x3FD2] =	sst s25  }
0xa6: {  	s4 =	sshll.u32 s26, $0x1;
	_ =	strace $0x80000046;
	[dreg:$0x1] =	wrdreg $0xFFFFFFFF  }
0xa7: {  	s28 =	simm.s32 $_size_execute0_lowered;
	s2 =	sadd.s32 s2, s4;
	[dreg:$0x0] =	wrdreg $0x0  }
0xa8: {  	s4 =	sshll.u32 s28, $0x1;
	[dreg:$0x2] =	wrdreg s2  }
0xa9: {  	[dreg:$0x3] =	wrdreg s4  }
0xaa: {  	[dreg:$0x4] =	wrdreg $0xC0  }
0xab: {  	_ =	task [dreg:s6], $0x5FFFF  }
0xac: {  	[dreg:$0x1] =	wrdreg $0xFFFFFFFF  }
0xad: {  	[dreg:$0x0] =	wrdreg $0x60  }
0xae: {  	[dreg:$0x2] =	wrdreg s24  }
0xaf: {  	[dreg:$0x3] =	wrdreg $0x0  }
0xb0: {  	[dreg:$0x4] =	wrdreg $0x9  }
0xb1: {  	_ =	task.clear_ibuf [dreg:s6], $0x5FFFF;
	_ =	strace $0x90000046  }
0xb2: {  	s29 =	simm.s32 $0x9;
	_ =	strace $0x80000048  }
0xb3: {  	_ =	swait.ge [sflag:s29], $0x1  }
0xb4: {  	[sflag:s29] =	ssyncadd.s32 $0xFFFFFFFF  }
0xb5: {  	_ =	strace $0x90000048  }
0xb6: {  	_ =	sfence  }
0xb7: {  	s30 =	sld [smem:$0x0];
	_ =	sdelay $0x2  }
0xb8: {  	s31 =	sshll.u32 s1, $0xD;
	s1 =	sshrl.u32 s1, $0x2  }
0xb9: {  	s3 =	sand.u32 $0x4000, s31;
	s1 =	sadd.s32 s1, s30  }
0xba: {  	s0 =	sor.u32 s3, s0;
	s1 =	sshll.u32 s1, $0x11  }
0xbb: {  	s0 =	sor.u32 s1, s0  }
0xbc: {  	s0 =	sadd.s32 $0x8F2B, s0  }
0xbd: {  	[sflag:s0] =	ssyncadd.remote.s32 $0x1  }
0xbe: {  	_ =	sfence.sel $0xFFFF  }
0xbf: {  	[dreg:$0x0] =	wrdreg $0xFFFFFFFF;
	(pc) =	sbr.abs _section_cstart, $3  }
0xc0: {  	[dreg:$0x1] =	wrdreg $0xFFFFFFFF  }
0xc1: {  	_ =	task.clear_ibuf [dreg:s6], $0x2FFFF;
	_ =	strace $0x9FFFFFFF  }
0xc2: {  	(tm) =	ssettm $0x7FFFFFFF  }
0xc3: {  	_ =	shalt  }
tec
execute0_lowered:
.L_overlay_start_1:
0x0: {  	(tag) =	ssettag $0x1  }
0x1: {  	s4 =	rddreg [dreg:$0x0]  }
0x2: {  	s1 =	rddreg [dreg:$0x1]  }
0x3: {  	s0 =	rddreg [dreg:$0x2]  }
0x4: {  	s3 =	simm.s32 $0x0;
	s5 =	srdreg.scid;
	s2 =	stileid.u32  }
0x5: {  	s10 =	simm.s32 $0x1;
	s11 =	simm.s32 $0x280;
	s12 =	simm.s32 $0x50  }
0x6: {  	s13 =	simm.s32 $0x2280;
	s14 =	simm.s32 $0x80;
	s15 =	simm.s32 $0x100  }
0x7: {  	s16 =	simm.s32 $0x0;
	[smem:$0x7FF] =	sst s3;
	s8 =	smul.u32 $0x500, s2  }
0x8: {  	s5 =	sand.u32 $0x1, s5;
	s7 =	sshll.u32 s2, $0xB;
	s9 =	smul.u32 $0xA00, s2  }
0x9: {  	_ =	strace $0x80000047;
	s6 =	sshll.u32 s5, $0xF;
	s30 =	sshll.u32 s5, $0x7  }
0xa: {  	s5 =	ssub.s32 $0x2, s5;
	s6 =	sor.u32 s7, s6;
	s7 =	sor.u32 s30, s8  }
0xb: {  	s31 =	sshrl.u32 s5, $0x1;
	s9 =	sshrl.u32 s9, $0x2;
	s7 =	sshrl.u32 s7, $0x3  }
0xc: {  	s6 =	sadd.s32 s6, s4;
	s8 =	ssub.s32 s5, s31;
	s7 =	sadd.s32 s7, s4  }
0xd: {  	s4 =	sadd.s32 s9, s1;
	s5 =	sadd.s32 $0x800, s6;
	s6 =	sadd.s32 $0xC00, s6  }
0xe: {  	v0 =	vimm.f32 $1.000000000e+00;
	v1 =	vimm.f32 $0.0e+00;
	s8 =	smax.u32 s8, $0x1;
	s9 =	simm.s32 $0x2300;
	s7 =	sadd.s32 $0x10800, s7  }
.LBB2_1:
0xf: {  	[tilespmem:$0x2280] =	vst v0  }
0x10: {  	[tilespmem:$0x2290] =	vst v0  }
0x11: {  	[tilespmem:$0x22A0] =	vst v0  }
0x12: {  	[tilespmem:$0x22B0] =	vst v0  }
0x13: {  	[tilespmem:$0x22C0] =	vst v0  }
0x14: {  	[tilespmem:$0x2300] =	vst v1  }
0x15: {  	[tilespmem:$0x2310] =	vst v1  }
0x16: {  	[tilespmem:$0x2320] =	vst v1  }
0x17: {  	[tilespmem:$0x2330] =	vst v1  }
0x18: {  	[tilespmem:$0x2340] =	vst v1  }
0x19: {  	[tilespmem:$0x2350] =	vst v1  }
0x1a: {  	[tilespmem:$0x2360] =	vst v1  }
0x1b: {  	[tilespmem:$0x2370] =	vst v1  }
0x1c: {  	[tilespmem:$0x2380] =	vst v1  }
0x1d: {  	[tilespmem:$0x2390] =	vst v1  }
0x1e: {  	[tilespmem:$0x23A0] =	vst v1  }
0x1f: {  	[tilespmem:$0x23B0] =	vst v1  }
0x20: {  	[tilespmem:$0x23C0] =	vst v1  }
0x21: {  	[tilespmem:$0x23D0] =	vst v1  }
0x22: {  	[tilespmem:$0x23E0] =	vst v1  }
0x23: {  	[tilespmem:$0x23F0] =	vst v1  }
0x24: {  	[tilespmem:$0x2400] =	vst v1  }
0x25: {  	[tilespmem:$0x2410] =	vst v1  }
0x26: {  	[tilespmem:$0x2420] =	vst v1  }
0x27: {  	[tilespmem:$0x2430] =	vst v1  }
0x28: {  	[tilespmem:$0x2440] =	vst v1  }
0x29: {  	[tilespmem:$0x2450] =	vst v1  }
0x2a: {  	[tilespmem:$0x2460] =	vst v1  }
0x2b: {  	[tilespmem:$0x2470] =	vst v1  }
0x2c: {  	[tilespmem:$0x2480] =	vst v1  }
0x2d: {  	[tilespmem:$0x2490] =	vst v1  }
0x2e: {  	[tilespmem:$0x24A0] =	vst v1  }
0x2f: {  	[tilespmem:$0x24B0] =	vst v1  }
0x30: {  	[tilespmem:$0x24C0] =	vst v1  }
0x31: {  	[tilespmem:$0x24D0] =	vst v1  }
0x32: {  	[tilespmem:$0x24E0] =	vst v1  }
0x33: {  	[tilespmem:$0x24F0] =	vst v1  }
0x34: {  	[tilespmem:$0x2500] =	vst v1  }
0x35: {  	[tilespmem:$0x2510] =	vst v1  }
0x36: {  	[tilespmem:$0x2520] =	vst v1  }
0x37: {  	[tilespmem:$0x2530] =	vst v1  }
0x38: {  	[tilespmem:$0x2540] =	vst v1  }
0x39: {  	[tilespmem:$0x2550] =	vst v1  }
0x3a: {  	[tilespmem:$0x2560] =	vst v1  }
0x3b: {  	[tilespmem:$0x2570] =	vst v1  }
0x3c: {  	[spmem:s4] =	stream.linear.scatter [tilespmem:s9], [sflag:$0x1], $0x280, $0x38;
	[tilespmem:$0x2580] =	vst v63  }
0x3d: {  	_ =	swait.ge [sflag:s10], $0x280  }
0x3e: {  	[sflag:s10] =	ssyncset.done $0x0  }
0x3f: {  	[sflag:s10] =	ssyncadd.s32 $0xFFFFFD80  }
0x40: {  	[bflag:$0x0] =	sbarrier.arrive $0xFFFF  }
0x41: {  	[tilespmem:s11], [sflag:$0x1] =	stream.linear.gather [hbm4b:s5+s3], $0x2000, $0x38;
	[tilespmem:$0x2580] =	vst v63  }
0x42: {  	_ =	swait.ge [sflag:s10], $0x2000  }
0x43: {  	[sflag:s10] =	ssyncset.done $0x0  }
0x44: {  	s17 =	simm.s32 $0x280;
	[sflag:s10] =	ssyncadd.s32 $0xFFFFE000  }
0x45: {  	[spmem:s1] =	stream.indirect.scatter.add.f32 [tilespmem:s13], [sflag:$0x1], $0x1, s17, s12, $0xb8;
	[tilespmem:$0x2580] =	vst v63  }
0x46: {  	s17 =	simm.s32 $0x200;
	_ =	swait.ge [sflag:s10], $0x50  }
.LBB2_2:
0x47: {  	s18 =	sshra.s32 s17, $0x2;
	[sflag:s10] =	ssyncset.done $0x0;
	p0 =	sne.s32 s17, $0x7E00  }
.Ltmp0:
0x48: {  	s18 =	sadd.s32 $0x280, s18;
	[sflag:s10] =	ssyncadd.s32 $0xFFFFFFB0;
	(pc) =	sbr.rel @p0 .LBB2_2-.Ltmp0, $3  }
0x49: {  	[spmem:s1] =	stream.indirect.scatter.add.f32 [tilespmem:s13], [sflag:$0x1], $0x1, s18, s12, $0xb8;
	[tilespmem:$0x2580] =	vst v63  }
0x4a: {  	s17 =	sadd.s32 $0x200, s17;
	_ =	sdelay $0x1  }
0x4b: {  	_ =	swait.ge [sflag:s10], $0x50  }
0x4c: {  	[sflag:s10] =	ssyncset.done $0x0  }
0x4d: {  	s17 =	simm.s32 $0x0;
	[sflag:s10] =	ssyncadd.s32 $0xFFFFFFB0  }
0x4e: {  	[tilespmem:s11], [sflag:$0x1] =	stream.linear.gather [hbm4b:s6+s17], $0x2000, $0x38;
	[tilespmem:$0x2580] =	vst v63  }
0x4f: {  	_ =	swait.ge [sflag:s10], $0x2000  }
0x50: {  	[sflag:s10] =	ssyncset.done $0x0  }
0x51: {  	s31 =	simm.s32 $0x280;
	[sflag:s10] =	ssyncadd.s32 $0xFFFFE000  }
0x52: {  	[spmem:s1] =	stream.indirect.scatter.add.f32 [tilespmem:s13], [sflag:$0x1], $0x1, s31, s12, $0xb8;
	[tilespmem:$0x2580] =	vst v63  }
0x53: {  	s17 =	simm.s32 $0x200;
	_ =	swait.ge [sflag:s10], $0x50  }
.LBB2_4:
0x54: {  	s18 =	sshra.s32 s17, $0x2;
	[sflag:s10] =	ssyncset.done $0x0;
	p0 =	sne.s32 s17, $0x7E00  }
.Ltmp1:
0x55: {  	s18 =	sadd.s32 $0x280, s18;
	[sflag:s10] =	ssyncadd.s32 $0xFFFFFFB0;
	(pc) =	sbr.rel @p0 .LBB2_4-.Ltmp1, $3  }
0x56: {  	[spmem:s1] =	stream.indirect.scatter.add.f32 [tilespmem:s13], [sflag:$0x1], $0x1, s18, s12, $0xb8;
	[tilespmem:$0x2580] =	vst v63  }
0x57: {  	s17 =	sadd.s32 $0x200, s17;
	_ =	sdelay $0x1  }
0x58: {  	_ =	swait.ge [sflag:s10], $0x50  }
0x59: {  	[sflag:s10] =	ssyncset.done $0x0  }
0x5a: {  	[sflag:s10] =	ssyncadd.s32 $0xFFFFFFB0  }
0x5b: {  	[bflag:$0x0] =	sbarrier.arrive $0xFFFF  }
0x5c: {  	[tilespmem:s9], [sflag:$0x1] =	stream.linear.gather [spmem:s4], $0x280, $0x38;
	[tilespmem:$0x2580] =	vst v63  }
0x5d: {  	s16 =	sadd.s32 $0x1, s16;
	_ =	swait.ge [sflag:s10], $0x280  }
0x5e: {  	p0 =	sne.s32 s16, s8;
	[sflag:s10] =	ssyncset.done $0x0  }
.Ltmp2:
0x5f: {  	[sflag:s10] =	ssyncadd.s32 $0xFFFFFD80;
	(pc) =	sbr.rel @p0 .LBB2_1-.Ltmp2, $4  }
0x60: {  	[hbm4b:s7+s14] =	stream.strided.scatter [tilespmem:s9], [sflag:$0x1], $0x280, s15, s14, $0x38;
	[tilespmem:$0x2580] =	vst v63  }
0x61: {  	_ =	swait.ge [sflag:s10], $0x280  }
0x62: {  	[sflag:s10] =	ssyncset.done $0x0  }
0x63: {  	[sflag:s10] =	ssyncadd.s32 $0xFFFFFD80  }
0x64: {  	_ =	sfence.sel $0x180000  }
0x65: {  	[bflag:$0x0] =	sbarrier.arrive $0xFFFF  }
0x66: {  	p0 =	sne.s32 s2, $0x0;
	_ =	strace $0x90000047  }
0x67: {  	s0 =	sadd.s32 @!p0 $0x100000, s0;
	[bflag:$0x2] =	sbarrier.arrive $0xFFFF  }
0x68: {  	[sflag:s0] =	ssyncadd.tile.s32 @!p0 $0x1;
	_ =	shalt  }
.Lfunc_end2:
_tile_overlayer_lowered:
.L_overlay_start_2:
0x69: {  	(tag) =	ssettag $0x2  }
0x6a: {  	s0 =	rddreg [dreg:$0x0];
	s2 =	stileid.u32  }
0x6b: {  	s1 =	rddreg [dreg:$0x1];
	p0 =	sne.s32 s2, $0x0  }
0x6c: {  	s3 =	rddreg [dreg:$0x2];
	[bflag:$0x3] =	sbarrier.arrive $0xFFFF;
	s2 =	simm.s32 @!p0 $0x1C01  }
0x6d: {  	[timem:s3], [sflag:s2] =	dma.local @!p0 [hbm:s0], s1  }
0x6e: {  	s0 =	simm.s32 @!p0 $0x1  }
0x6f: {  	_ =	swait.ge @!p0 [sflag:s0], s1  }
0x70: {  	s1 =	ssub.s32 @!p0 $0x0, s1;
	[sflag:s0] =	ssyncset.done @!p0 $0x0  }
0x71: {  	[sflag:s0] =	ssyncadd.s32 @!p0 s1  }
0x72: {  	[bflag:$0x3] =	sbarrier.arrive $0xFFFF  }
0x73: {  	_ =	shalt  }

// kernel: kernel.9.cloned.1.call-start
scs
__scs_entry_jumppad:
0x0: {  	(pc) =	sbr.rel $0x88, $3  }
0x1: {  	(tag) =	ssettag $0x0;
	lr =	simm.s32 $0x1  }
0x2: {  	[smem:$0x3F9C] =	sst lr;
	_ =	strace $0xD0000000  }
0x3: {  	_ = 	snop  }
0x4: {  	_ = 	snop  }
0x5: {  	_ = 	snop  }
0x6: {  	_ = 	snop  }
0x7: {  	_ = 	snop  }
__scs_overlays_trampoline_lowered:
0x8: {  	[smem:$0x3FAB] =	sst s0  }
0x9: {  	[smem:$0x3FAC] =	sst s1  }
0xa: {  	[smem:$0x3FAD] =	sst s2  }
0xb: {  	[smem:$0x3FAE] =	sst s3  }
0xc: {  	[smem:$0x3FAF] =	sst s4  }
0xd: {  	[smem:$0x3FB0] =	sst s5  }
0xe: {  	[smem:$0x3FB1] =	sst s6  }
0xf: {  	[smem:$0x3FB2] =	sst s7  }
0x10: {  	[smem:$0x3FB3] =	sst s8  }
0x11: {  	[smem:$0x3FB4] =	sst s9;
	s0 =	simm.s32 @!p0 $0x0  }
0x12: {  	s1 =	sld [smem:$0x3F9A];
	s0 =	simm.s32 @p0 $0x1  }
0x13: {  	[smem:$0x3FB5] =	sst s0;
	s0 =	simm.s32 @!p1 $0x0  }
0x14: {  	s2 =	sld [smem:$0x3F99];
	s0 =	simm.s32 @p1 $0x1  }
0x15: {  	[smem:$0x3FB6] =	sst s0;
	s0 =	simm.s32 @!p2 $0x0  }
0x16: {  	s3 =	sld [smem:$0x3FDB];
	s0 =	simm.s32 @p2 $0x1  }
0x17: {  	s4 =	simm.s32 $0x1BF5;
	[smem:$0x3FB8] =	sst s0  }
0x18: {  	s0 =	sld [smem:$0x3F9B];
	_ =	swait.ge [sflag:s4], $0x0  }
0x19: {  	s7 =	sld [smem:$0x3F9C]  }
0x1a: {  	s8 =	sadd.s32 $0xFFFFE003, lr  }
0x1b: {  	s9 =	sadd.s32 $0xFFFFFEF7, lr;
	s5 =	simm.s32 $0xFFFFFFFF;
	p2 =	slt.u32 s8, $0xFFFFF086  }
0x1c: {  	p1 =	slt.u32 s9, $0xF7A;
	s5 =	simm.s32 @!p2 $0x0  }
0x1d: {  	s5 =	simm.s32 @p1 $0x1;
	p0 =	seq.s32 s7, s2  }
0x1e: {  	s7 =	smul.u32 @!p0 $0xF7A, s2;
	p2 =	seq.s32 @!p0 s5, $0x0  }
0x1f: {  	s9 =	smul.u32 $0xF7A, s1;
	s8 =	simm.s32 @!p0 $0x1BF5;
	p2 =	por !p2, p0  }
0x20: {  	[sflag:s8] =	ssyncset.s32 @!p0 $0xFFFFF086;
	s6 =	sadd.s32 @!p0 s3, s7;
	s7 =	simm.s32 @!p0 $0x108  }
0x21: {  	s3 =	sadd.s32 s3, s9;
	s6 =	sadd.s32 @!p0 $0x88, s6;
	s7 =	simm.s32 @p2 $0x1082  }
0x22: {  	[simem:s7], [sflag:s8] =	dma.local @!p0 [hbm:s6], $0xF7A  }
0x23: {  	s9 =	sor.u32 $0xD0000000, s2;
	s6 =	simm.s32 $0x108;
	_ =	swait.ge @!p0 [sflag:s8], $0x0  }
0x24: {  	s3 =	sadd.s32 $0x88, s3;
	s6 =	simm.s32 @!p1 $0x1082;
	[sflag:s4] =	ssyncset.s32 $0xFFFFF086  }
0x25: {  	[simem:s6], [sflag:s4] =	dma.local [hbm:s3], $0xF7A  }
0x26: {  	[smem:$0x3F9C] =	sst s1;
	(tag) =	ssettag s2;
	_ =	strace s9  }
0x27: {  	s1 =	sld [smem:$0x3FAC]  }
0x28: {  	s2 =	sld [smem:$0x3FAD]  }
0x29: {  	s4 =	sld [smem:$0x3FAF]  }
0x2a: {  	p0 =	seq.s32 s5, $0x0;
	s5 =	sld [smem:$0x3FB0]  }
0x2b: {  	s6 =	sld [smem:$0x3FB1]  }
0x2c: {  	s7 =	sld [smem:$0x3FB2]  }
0x2d: {  	s3 =	simm.s32 $0x108;
	s8 =	sld [smem:$0x3FB3]  }
0x2e: {  	s3 =	simm.s32 @!p0 $0x1082;
	s9 =	sld [smem:$0x3FB4]  }
0x2f: {  	lr =	sadd.s32 s0, s3;
	s0 =	sld [smem:$0x3FAB]  }
0x30: {  	s3 =	sld [smem:$0x3FAE]  }
0x31: {  	[smem:$0x3FB7] =	sst s10  }
0x32: {  	s10 =	sld [smem:$0x3FB5];
	_ =	sdelay $0x3  }
0x33: {  	p0 =	seq.s32 s10, $0x1;
	s10 =	sld [smem:$0x3FB7];
	_ =	sdelay $0x3  }
0x34: {  	[smem:$0x3FB7] =	sst s10  }
0x35: {  	s10 =	sld [smem:$0x3FB6];
	_ =	sdelay $0x3  }
0x36: {  	p1 =	seq.s32 s10, $0x1;
	s10 =	sld [smem:$0x3FB7];
	_ =	sdelay $0x3  }
0x37: {  	[smem:$0x3FB7] =	sst s10  }
0x38: {  	s10 =	sld [smem:$0x3FB8]  }
0x39: {  	_ = 	snop;
	(pc) =	sbr.ind lr, $3  }
0x3a: {  	_ = 	snop  }
0x3b: {  	_ = 	snop  }
0x3c: {  	p2 =	seq.s32 s10, $0x1;
	s10 =	sld [smem:$0x3FB7]  }
0x3d: {  	_ =	shalt  }
0x3e: {  	_ =	shalt  }
0x3f: {  	_ =	shalt  }
0x40: {  	_ =	shalt  }
0x41: {  	_ =	shalt  }
0x42: {  	_ =	shalt  }
0x43: {  	_ =	shalt  }
0x44: {  	_ =	shalt  }
0x45: {  	_ =	shalt  }
0x46: {  	_ =	shalt  }
0x47: {  	_ =	shalt  }
0x48: {  	_ =	shalt  }
0x49: {  	_ =	shalt  }
0x4a: {  	_ =	shalt  }
0x4b: {  	_ =	shalt  }
0x4c: {  	_ =	shalt  }
0x4d: {  	_ =	shalt  }
0x4e: {  	_ =	shalt  }
0x4f: {  	_ =	shalt  }
0x50: {  	_ =	shalt  }
0x51: {  	_ =	shalt  }
0x52: {  	_ =	shalt  }
0x53: {  	_ =	shalt  }
0x54: {  	_ =	shalt  }
0x55: {  	_ =	shalt  }
0x56: {  	_ =	shalt  }
0x57: {  	_ =	shalt  }
0x58: {  	_ =	shalt  }
0x59: {  	_ =	shalt  }
0x5a: {  	_ =	shalt  }
0x5b: {  	_ =	shalt  }
0x5c: {  	_ =	shalt  }
0x5d: {  	_ =	shalt  }
0x5e: {  	_ =	shalt  }
0x5f: {  	_ =	shalt  }
0x60: {  	_ =	shalt  }
0x61: {  	_ =	shalt  }
0x62: {  	_ =	shalt  }
0x63: {  	_ =	shalt  }
0x64: {  	_ =	shalt  }
0x65: {  	_ =	shalt  }
0x66: {  	_ =	shalt  }
0x67: {  	_ =	shalt  }
0x68: {  	_ =	shalt  }
0x69: {  	_ =	shalt  }
0x6a: {  	_ =	shalt  }
0x6b: {  	_ =	shalt  }
0x6c: {  	_ =	shalt  }
0x6d: {  	_ =	shalt  }
0x6e: {  	_ =	shalt  }
0x6f: {  	_ =	shalt  }
0x70: {  	_ =	shalt  }
0x71: {  	_ =	shalt  }
0x72: {  	_ =	shalt  }
0x73: {  	_ =	shalt  }
0x74: {  	_ =	shalt  }
0x75: {  	_ =	shalt  }
0x76: {  	_ =	shalt  }
0x77: {  	_ =	shalt  }
0x78: {  	_ =	shalt  }
0x79: {  	_ =	shalt  }
0x7a: {  	_ =	shalt  }
0x7b: {  	_ =	shalt  }
0x7c: {  	_ =	shalt  }
0x7d: {  	_ =	shalt  }
0x7e: {  	_ =	shalt  }
0x7f: {  	_ =	shalt  }
0x80: {  	_ =	shalt  }
0x81: {  	_ =	shalt  }
0x82: {  	_ =	shalt  }
0x83: {  	_ =	shalt  }
0x84: {  	_ =	shalt  }
0x85: {  	_ =	shalt  }
0x86: {  	_ =	shalt  }
0x87: {  	_ =	shalt  }
.Lfunc_end0:
.L_simem_size_0:
called_computation.1_lowered:
.L_overlay_start_0:
0x88: {  	s2 =	sld [smem:$0x3FD9]  }
0x89: {  	s3 =	sld [smem:$0x3FFE];
	_ =	sdelay $0x1  }
0x8a: {  	s1 =	srdreg.scid  }
0x8b: {  	s0 =	sand.u32 $0x1, s1  }
0x8c: {  	s14 =	sshll.u32 s0, $0xA;
	s2 =	sadd.s32 s3, s2  }
0x8d: {  	s2 =	sadd.s32 s2, s14  }
0x8e: {  	[smem:$0x3FC3] =	sst s2  }
0x8f: {  	_ = 	snop  }
0x90: {  	s2 =	sld [smem:$0x3FD0];
	_ =	sdelay $0x2  }
0x91: {  	s15 =	simm.s32 $0xA;
	s4 =	simm.s32 $0x10  }
0x92: {  	[smem:s4], [sflag:s15] =	dma.local [hbm:s2], $0x1  }
0x93: {  	_ =	swait.eq [sflag:s15], $0x1  }
0x94: {  	[sflag:s15] =	ssyncset.done $0x0  }
0x95: {  	s16 =	sld [smem:$0x10];
	[sflag:s15] =	ssyncadd.s32 $0xFFFFFFFF  }
0x96: {  	s17 =	sld [smem:$0x11];
	(tm) =	ssettm $0x1  }
0x97: {  	s18 =	sld [smem:$0x3FFB];
	_ =	sdelay $0x3  }
0x98: {  	_ =	strace s18  }
0x99: {  	s4 =	sld [smem:$0x3FFC];
	_ =	sdelay $0x3  }
0x9a: {  	_ =	strace s4  }
0x9b: {  	s4 =	sld [smem:$0x3FFD];
	_ =	sdelay $0x3  }
0x9c: {  	_ =	strace s4  }
0x9d: {  	_ =	strace $0x8FFFFFFF  }
0x9e: {  	s19 =	sld [smem:$0x3FDB];
	_ =	sdelay $0x1  }
0x9f: {  	s5 =	simm.s32 $_scs_section_size  }
0xa0: {  	s6 =	simm.s32 $_size__tile_overlayer_lowered;
	s7 =	simm.s32 $_tile_overlayer_lowered  }
0xa1: {  	s22 =	simm.s32 $0x1BFF;
	s21 =	sshll.u32 s7, $0x1;
	s4 =	sadd.s32 s5, s19  }
0xa2: {  	s8 =	simm.s32 $0x0;
	s20 =	sshll.u32 s6, $0x1;
	s6 =	sadd.s32 s21, s4  }
0xa3: {  	[timem:s8], [sflag:s22] =	dma.local [hbm:s6], s20  }
0xa4: {  	_ =	swait.ge [sflag:s22], s20  }
0xa5: {  	s5 =	ssub.s32 $0x0, s20;
	[sflag:s22] =	ssyncset.done $0x0  }
0xa6: {  	[sflag:s22] =	ssyncadd.s32 s5;
	_ =	sdelay $0x1  }
0xa7: {  	s23 =	simm.s32 $0x1B8B  }
0xa8: {  	_ =	swait.ge [sflag:s23], $0x1  }
0xa9: {  	[sflag:s23] =	ssyncset.done $0x0  }
0xaa: {  	s25 =	simm.s32 $0x1B8E;
	s24 =	sld [smem:$0x3FFE];
	[sflag:s23] =	ssyncadd.s32 $0xFFFFFFFF  }
0xab: {  	s26 =	simm.s32 $execute0_lowered;
	[smem:$0x3FD2] =	sst s25  }
0xac: {  	s6 =	sshll.u32 s26, $0x1;
	_ =	strace $0x80000049;
	[dreg:$0x1] =	wrdreg $0xFFFFFFFF  }
0xad: {  	s28 =	simm.s32 $_size_execute0_lowered;
	s4 =	sadd.s32 s4, s6;
	[dreg:$0x0] =	wrdreg $0x0  }
0xae: {  	s6 =	sshll.u32 s28, $0x1;
	[dreg:$0x2] =	wrdreg s4  }
0xaf: {  	[dreg:$0x3] =	wrdreg s6  }
0xb0: {  	[dreg:$0x4] =	wrdreg $0xC0  }
0xb1: {  	_ =	task [dreg:s8], $0x5FFFF  }
0xb2: {  	[dreg:$0x1] =	wrdreg $0xFFFFFFFF  }
0xb3: {  	[dreg:$0x0] =	wrdreg $0x60  }
0xb4: {  	[dreg:$0x2] =	wrdreg s17  }
0xb5: {  	[dreg:$0x3] =	wrdreg s16  }
0xb6: {  	[dreg:$0x4] =	wrdreg s24  }
0xb7: {  	[dreg:$0x5] =	wrdreg $0x0  }
0xb8: {  	[dreg:$0x6] =	wrdreg $0x9  }
0xb9: {  	_ =	task.clear_ibuf [dreg:s8], $0x7FFFF;
	_ =	strace $0x90000049  }
0xba: {  	s29 =	simm.s32 $0x9;
	_ =	strace $0x8000004B  }
0xbb: {  	_ =	swait.ge [sflag:s29], $0x1  }
0xbc: {  	[sflag:s29] =	ssyncadd.s32 $0xFFFFFFFF  }
0xbd: {  	_ =	strace $0x9000004B  }
0xbe: {  	_ =	sfence  }
0xbf: {  	s30 =	sld [smem:$0x0];
	_ =	sdelay $0x2  }
0xc0: {  	s31 =	sshll.u32 s1, $0xD;
	s1 =	sshrl.u32 s1, $0x2  }
0xc1: {  	s3 =	sand.u32 $0x4000, s31;
	s1 =	sadd.s32 s1, s30  }
0xc2: {  	s0 =	sor.u32 s3, s0;
	s1 =	sshll.u32 s1, $0x11  }
0xc3: {  	s0 =	sor.u32 s1, s0  }
0xc4: {  	s0 =	sadd.s32 $0x8F2B, s0  }
0xc5: {  	[sflag:s0] =	ssyncadd.remote.s32 $0x1  }
0xc6: {  	_ =	sfence.sel $0xFFFF  }
0xc7: {  	[dreg:$0x0] =	wrdreg $0xFFFFFFFF;
	(pc) =	sbr.abs _section_cstart, $3  }
0xc8: {  	[dreg:$0x1] =	wrdreg $0xFFFFFFFF  }
0xc9: {  	_ =	task.clear_ibuf [dreg:s8], $0x2FFFF;
	_ =	strace $0x9FFFFFFF  }
0xca: {  	(tm) =	ssettm $0x7FFFFFFF  }
0xcb: {  	_ =	shalt  }
tec
execute0_lowered:
.L_overlay_start_1:
0x0: {  	(tag) =	ssettag $0x1  }
0x1: {  	s0 =	rddreg [dreg:$0x0]  }
0x2: {  	s1 =	rddreg [dreg:$0x1];
	s2 =	srdreg.scid  }
0x3: {  	s4 =	rddreg [dreg:$0x2];
	s14 =	stileid.u32  }
0x4: {  	s3 =	simm.s32 $0x0;
	s28 =	simm.s32 $0x3;
	s29 =	simm.s32 $0x14000  }
0x5: {  	s30 =	simm.s32 $0x16000;
	s31 =	simm.s32 $0x50;
	s5 =	sand.u32 $0x1, s2  }
0x6: {  	s2 =	rddreg [dreg:$0x3];
	s8 =	smul.u32 $0x14000, s14;
	s15 =	sadd.s32 $0x5E400, s4  }
0x7: {  	s10 =	sshll.u32 s14, $0xB;
	[smem:$0x7FF] =	sst s3;
	s6 =	ssub.s32 $0x2, s5  }
0x8: {  	s9 =	sshll.u32 s5, $0xF;
	s5 =	smul.u32 $0x140000, s5;
	s7 =	sshrl.u32 s6, $0x1  }
0x9: {  	s19 =	sadd.s32 $0x5000, s8;
	s20 =	sadd.s32 $0x7800, s8;
	s21 =	sadd.s32 $0xA000, s8  }
0xa: {  	s22 =	sadd.s32 $0xC800, s8;
	s23 =	sadd.s32 $0xF000, s8;
	s9 =	sor.u32 s10, s9  }
0xb: {  	s24 =	sadd.s32 $0x11800, s8;
	s6 =	ssub.s32 s6, s7;
	s7 =	sor.u32 $0x2800, s8  }
0xc: {  	s10 =	sor.u32 $0x400, s9;
	s11 =	sadd.s32 s0, s9;
	s9 =	sadd.s32 s1, s9  }
0xd: {  	s25 =	sadd.s32 s8, s5;
	s8 =	sadd.s32 s5, s19;
	s12 =	sadd.s32 s5, s20  }
0xe: {  	s13 =	sadd.s32 s5, s21;
	s17 =	sadd.s32 s5, s23;
	s19 =	sadd.s32 s19, s2  }
0xf: {  	s20 =	sadd.s32 s20, s2;
	s21 =	sadd.s32 s21, s2;
	[dreg:$0x5] =	wrdreg s11  }
0x10: {  	s23 =	sadd.s32 s23, s2;
	[dreg:$0x6] =	wrdreg s9;
	s0 =	sadd.s32 s0, s10  }
0x11: {  	s18 =	sadd.s32 s1, s10;
	s26 =	sadd.s32 s5, s7;
	[dreg:$0x7] =	wrdreg s0  }
0x12: {  	s11 =	sshrl.u32 s8, $0x3;
	[dreg:$0x8] =	wrdreg s18;
	s0 =	sshrl.u32 s25, $0x3  }
0x13: {  	s1 =	sshrl.u32 s26, $0x3;
	s18 =	sadd.s32 s5, s24;
	s25 =	smul.u32 $0x50000, s14  }
0x14: {  	s24 =	sadd.s32 s24, s2;
	s0 =	sadd.s32 s15, s0;
	s9 =	sadd.s32 s15, s1  }
0x15: {  	s1 =	sshrl.u32 s13, $0x3;
	s13 =	sadd.s32 s5, s22;
	[dreg:$0x9] =	wrdreg s0  }
0x16: {  	s22 =	sadd.s32 s22, s2;
	s5 =	simm.s32 $0x0;
	[dreg:$0xa] =	wrdreg s9  }
0x17: {  	s0 =	sadd.s32 s15, s11;
	s16 =	sshrl.u32 s13, $0x3;
	s26 =	sshrl.u32 s25, $0x2  }
0x18: {  	s25 =	smax.u32 s6, $0x1;
	[dreg:$0xb] =	wrdreg s0;
	s0 =	sshrl.u32 s12, $0x3  }
0x19: {  	s12 =	sadd.s32 s15, s1;
	s13 =	sadd.s32 s15, s16;
	s1 =	sshrl.u32 s18, $0x3  }
0x1a: {  	s16 =	sadd.s32 $0x800, s4;
	s18 =	sadd.s32 s7, s2;
	s4 =	simm.s32 $0x2  }
0x1b: {  	s11 =	sadd.s32 s15, s0;
	s0 =	sshrl.u32 s17, $0x3;
	_ =	strace $0x8000004A  }
0x1c: {  	s17 =	sadd.s32 s26, s2;
	s26 =	simm.s32 $0x18000;
	s14 =	sadd.s32 s15, s0  }
0x1d: {  	v0 =	vimm.f32 $0.0e+00;
	s15 =	sadd.s32 s15, s1;
	s0 =	simm.s32 $0x1A800;
	s1 =	simm.s32 $0x1  }
.LBB2_1:
0x1e: {  	s6 =	simm.s32 $0x0;
	s7 =	simm.s32 $0x200  }
.LBB2_2:
0x1f: {  	p0 =	sne.s32 s7, $0x9E00;
	[tilespmem:s6+$0x18070] =	vst v0  }
0x20: {  	[tilespmem:s6+$0x18000] =	vst v0  }
0x21: {  	[tilespmem:s6+$0x18010] =	vst v0  }
.Ltmp0:
0x22: {  	[tilespmem:s6+$0x18020] =	vst v0;
	(pc) =	sbr.rel @p0 .LBB2_2-.Ltmp0, $4  }
0x23: {  	[tilespmem:s6+$0x18030] =	vst v0  }
0x24: {  	[tilespmem:s6+$0x18040] =	vst v0  }
0x25: {  	[tilespmem:s6+$0x18050] =	vst v0  }
0x26: {  	[tilespmem:s6+$0x18060] =	vst v0;
	s6 =	sshra.s32 s7, $0x2;
	s7 =	sadd.s32 $0x200, s7  }
0x27: {  	[tilespmem:s6+$0x18070] =	vst v0  }
0x28: {  	[tilespmem:s6+$0x18000] =	vst v0  }
0x29: {  	[tilespmem:s6+$0x18010] =	vst v0  }
0x2a: {  	[tilespmem:s6+$0x18020] =	vst v0  }
0x2b: {  	[tilespmem:s6+$0x18030] =	vst v0  }
0x2c: {  	[tilespmem:s6+$0x18040] =	vst v0  }
0x2d: {  	[tilespmem:s6+$0x18050] =	vst v0  }
0x2e: {  	[tilespmem:s6+$0x18060] =	vst v0  }
0x2f: {  	[spmem:s17] =	stream.linear.scatter [tilespmem:s26], [sflag:$0x3], $0x2800, $0x38;
	[tilespmem:$0x1D000] =	vst v63  }
0x30: {  	_ =	swait.ge [sflag:s28], $0x2800  }
0x31: {  	[sflag:s28] =	ssyncset.done $0x0  }
0x32: {  	[sflag:s28] =	ssyncadd.s32 $0xFFFFD800  }
0x33: {  	[spmem:s18] =	stream.linear.scatter [tilespmem:s26], [sflag:$0x3], $0x2800, $0x38;
	[tilespmem:$0x1D000] =	vst v63  }
0x34: {  	_ =	swait.ge [sflag:s28], $0x2800  }
0x35: {  	[sflag:s28] =	ssyncset.done $0x0  }
0x36: {  	[sflag:s28] =	ssyncadd.s32 $0xFFFFD800  }
0x37: {  	[spmem:s19] =	stream.linear.scatter [tilespmem:s26], [sflag:$0x3], $0x2800, $0x38;
	[tilespmem:$0x1D000] =	vst v63  }
0x38: {  	_ =	swait.ge [sflag:s28], $0x2800  }
0x39: {  	[sflag:s28] =	ssyncset.done $0x0  }
0x3a: {  	[sflag:s28] =	ssyncadd.s32 $0xFFFFD800  }
0x3b: {  	[spmem:s20] =	stream.linear.scatter [tilespmem:s26], [sflag:$0x3], $0x2800, $0x38;
	[tilespmem:$0x1D000] =	vst v63  }
0x3c: {  	_ =	swait.ge [sflag:s28], $0x2800  }
0x3d: {  	[sflag:s28] =	ssyncset.done $0x0  }
0x3e: {  	[sflag:s28] =	ssyncadd.s32 $0xFFFFD800  }
0x3f: {  	[spmem:s21] =	stream.linear.scatter [tilespmem:s26], [sflag:$0x3], $0x2800, $0x38;
	[tilespmem:$0x1D000] =	vst v63  }
0x40: {  	_ =	swait.ge [sflag:s28], $0x2800  }
0x41: {  	[sflag:s28] =	ssyncset.done $0x0  }
0x42: {  	[sflag:s28] =	ssyncadd.s32 $0xFFFFD800  }
0x43: {  	[spmem:s22] =	stream.linear.scatter [tilespmem:s26], [sflag:$0x3], $0x2800, $0x38;
	[tilespmem:$0x1D000] =	vst v63  }
0x44: {  	_ =	swait.ge [sflag:s28], $0x2800  }
0x45: {  	[sflag:s28] =	ssyncset.done $0x0  }
0x46: {  	[sflag:s28] =	ssyncadd.s32 $0xFFFFD800  }
0x47: {  	[spmem:s23] =	stream.linear.scatter [tilespmem:s26], [sflag:$0x3], $0x2800, $0x38;
	[tilespmem:$0x1D000] =	vst v63  }
0x48: {  	_ =	swait.ge [sflag:s28], $0x2800  }
0x49: {  	[sflag:s28] =	ssyncset.done $0x0  }
0x4a: {  	[sflag:s28] =	ssyncadd.s32 $0xFFFFD800  }
0x4b: {  	[spmem:s24] =	stream.linear.scatter [tilespmem:s26], [sflag:$0x3], $0x2800, $0x38;
	[tilespmem:$0x1D000] =	vst v63  }
0x4c: {  	_ =	swait.ge [sflag:s28], $0x2800  }
0x4d: {  	[sflag:s28] =	ssyncset.done $0x0  }
0x4e: {  	[sflag:s28] =	ssyncadd.s32 $0xFFFFD800  }
0x4f: {  	[bflag:$0x0] =	sbarrier.arrive $0xFFFF  }
0x50: {  	s9 =	simm.s32 $0x0;
	s7 =	rddreg [dreg:$0x5]  }
0x51: {  	[tilespmem:s29], [sflag:$0x3] =	stream.linear.gather [hbm4b:s7+s9], $0x2000, $0x38;
	[tilespmem:$0x1D000] =	vst v63  }
0x52: {  	_ =	swait.ge [sflag:s28], $0x2000  }
0x53: {  	[sflag:s28] =	ssyncset.done $0x0  }
0x54: {  	s10 =	rddreg [dreg:$0x6];
	[sflag:s28] =	ssyncadd.s32 $0xFFFFE000  }
0x55: {  	[tilespmem:s30], [sflag:$0x3] =	stream.linear.gather [hbm4b:s10+s9], $0x2000, $0x38;
	[tilespmem:$0x1D000] =	vst v63  }
0x56: {  	_ =	swait.ge [sflag:s28], $0x2000  }
0x57: {  	[sflag:s28] =	ssyncset.done $0x0  }
0x58: {  	s7 =	simm.s32 $0x14000;
	[sflag:s28] =	ssyncadd.s32 $0xFFFFE000  }
0x59: {  	[tilespmem:s26], [sflag:$0x1] =	stream.indirect.gather [hbm4b:s16+s31], $0x80, s7, s31, $0xb8;
	[tilespmem:$0x1D000] =	vst v63  }
0x5a: {  	s8 =	simm.s32 $0x14080  }
0x5b: {  	[tilespmem:s0], [sflag:$0x2] =	stream.indirect.gather [hbm4b:s16+s31], $0x80, s8, s31, $0xb8;
	[tilespmem:$0x1D000] =	vst v63  }
0x5c: {  	_ =	swait.ge [sflag:s1], $0x2800  }
0x5d: {  	[sflag:s1] =	ssyncset.done $0x0  }
0x5e: {  	s9 =	simm.s32 $0x16000;
	[sflag:s1] =	ssyncadd.s32 $0xFFFFD800  }
0x5f: {  	[spmem:s2] =	stream.indirect.scatter.add.f32 [tilespmem:s26], [sflag:$0x3], $0x80, s9, s31, $0xb8;
	[tilespmem:$0x1D000] =	vst v63  }
0x60: {  	_ =	swait.ge [sflag:s28], $0x2800  }
0x61: {  	[sflag:s28] =	ssyncset.done $0x0  }
0x62: {  	[sflag:s28] =	ssyncadd.s32 $0xFFFFD800  }
0x63: {  	_ =	swait.ge [sflag:s4], $0x2800  }
0x64: {  	[sflag:s4] =	ssyncset.done $0x0  }
0x65: {  	s10 =	simm.s32 $0x16080;
	[sflag:s4] =	ssyncadd.s32 $0xFFFFD800  }
0x66: {  	[spmem:s2] =	stream.indirect.scatter.add.f32 [tilespmem:s0], [sflag:$0x3], $0x80, s10, s31, $0xb8;
	[tilespmem:$0x1D000] =	vst v63  }
0x67: {  	_ =	swait.ge [sflag:s28], $0x2800  }
0x68: {  	s6 =	simm.s32 $0x100;
	s7 =	simm.s32 $0x800;
	[sflag:s28] =	ssyncset.done $0x0  }
.LBB2_4:
0x69: {  	s8 =	sadd.s32 $0x14000, s6  }
0x6a: {  	[sflag:s28] =	ssyncadd.s32 $0xFFFFD800;
	s9 =	smov.u32 s7;
	s10 =	sadd.s32 $0x400, s7  }
0x6b: {  	[tilespmem:s26], [sflag:$0x1] =	stream.indirect.gather [hbm4b:s16+s31], $0x80, s8, s31, $0xb8;
	[tilespmem:$0x1D000] =	vst v63  }
0x6c: {  	p0 =	sne.s32 s7, $0x7C00;
	s7 =	sadd.s32 $0x14080, s6  }
0x6d: {  	[tilespmem:s0], [sflag:$0x2] =	stream.indirect.gather [hbm4b:s16+s31], $0x80, s7, s31, $0xb8;
	[tilespmem:$0x1D000] =	vst v63  }
0x6e: {  	_ =	swait.ge [sflag:s1], $0x2800  }
0x6f: {  	[sflag:s1] =	ssyncset.done $0x0  }
0x70: {  	s7 =	sadd.s32 $0x16000, s6;
	[sflag:s1] =	ssyncadd.s32 $0xFFFFD800  }
0x71: {  	[spmem:s2] =	stream.indirect.scatter.add.f32 [tilespmem:s26], [sflag:$0x3], $0x80, s7, s31, $0xb8;
	[tilespmem:$0x1D000] =	vst v63  }
0x72: {  	_ =	swait.ge [sflag:s28], $0x2800  }
0x73: {  	[sflag:s28] =	ssyncset.done $0x0  }
0x74: {  	[sflag:s28] =	ssyncadd.s32 $0xFFFFD800  }
0x75: {  	_ =	swait.ge [sflag:s4], $0x2800  }
.Ltmp1:
0x76: {  	[sflag:s4] =	ssyncset.done $0x0;
	(pc) =	sbr.rel @p0 .LBB2_4-.Ltmp1, $4  }
0x77: {  	s6 =	sadd.s32 $0x16080, s6;
	[sflag:s4] =	ssyncadd.s32 $0xFFFFD800  }
0x78: {  	[spmem:s2] =	stream.indirect.scatter.add.f32 [tilespmem:s0], [sflag:$0x3], $0x80, s6, s31, $0xb8;
	[tilespmem:$0x1D000] =	vst v63  }
0x79: {  	_ =	swait.ge [sflag:s28], $0x2800  }
0x7a: {  	s7 =	smov.u32 s10;
	s6 =	sshra.s32 s9, $0x2;
	[sflag:s28] =	ssyncset.done $0x0  }
0x7b: {  	s7 =	sadd.s32 $0x14000, s6;
	[sflag:s28] =	ssyncadd.s32 $0xFFFFD800  }
0x7c: {  	[tilespmem:s26], [sflag:$0x1] =	stream.indirect.gather [hbm4b:s16+s31], $0x80, s7, s31, $0xb8;
	[tilespmem:$0x1D000] =	vst v63  }
0x7d: {  	s9 =	sadd.s32 $0x14080, s6  }
0x7e: {  	[tilespmem:s0], [sflag:$0x2] =	stream.indirect.gather [hbm4b:s16+s31], $0x80, s9, s31, $0xb8;
	[tilespmem:$0x1D000] =	vst v63  }
0x7f: {  	_ =	swait.ge [sflag:s1], $0x2800  }
0x80: {  	[sflag:s1] =	ssyncset.done $0x0  }
0x81: {  	s10 =	sadd.s32 $0x16000, s6;
	[sflag:s1] =	ssyncadd.s32 $0xFFFFD800  }
0x82: {  	[spmem:s2] =	stream.indirect.scatter.add.f32 [tilespmem:s26], [sflag:$0x3], $0x80, s10, s31, $0xb8;
	[tilespmem:$0x1D000] =	vst v63  }
0x83: {  	_ =	swait.ge [sflag:s28], $0x2800  }
0x84: {  	[sflag:s28] =	ssyncset.done $0x0  }
0x85: {  	[sflag:s28] =	ssyncadd.s32 $0xFFFFD800  }
0x86: {  	_ =	swait.ge [sflag:s4], $0x2800  }
0x87: {  	[sflag:s4] =	ssyncset.done $0x0  }
0x88: {  	s7 =	sadd.s32 $0x16080, s6;
	[sflag:s4] =	ssyncadd.s32 $0xFFFFD800  }
0x89: {  	[spmem:s2] =	stream.indirect.scatter.add.f32 [tilespmem:s0], [sflag:$0x3], $0x80, s7, s31, $0xb8;
	[tilespmem:$0x1D000] =	vst v63  }
0x8a: {  	_ =	swait.ge [sflag:s28], $0x2800  }
0x8b: {  	[sflag:s28] =	ssyncset.done $0x0  }
0x8c: {  	s8 =	simm.s32 $0x0;
	s9 =	rddreg [dreg:$0x7];
	[sflag:s28] =	ssyncadd.s32 $0xFFFFD800  }
0x8d: {  	[tilespmem:s29], [sflag:$0x3] =	stream.linear.gather [hbm4b:s9+s8], $0x2000, $0x38;
	[tilespmem:$0x1D000] =	vst v63  }
0x8e: {  	_ =	swait.ge [sflag:s28], $0x2000  }
0x8f: {  	[sflag:s28] =	ssyncset.done $0x0  }
0x90: {  	s10 =	rddreg [dreg:$0x8];
	[sflag:s28] =	ssyncadd.s32 $0xFFFFE000  }
0x91: {  	[tilespmem:s30], [sflag:$0x3] =	stream.linear.gather [hbm4b:s10+s8], $0x2000, $0x38;
	[tilespmem:$0x1D000] =	vst v63  }
0x92: {  	_ =	swait.ge [sflag:s28], $0x2000  }
0x93: {  	[sflag:s28] =	ssyncset.done $0x0  }
0x94: {  	s7 =	simm.s32 $0x14000;
	[sflag:s28] =	ssyncadd.s32 $0xFFFFE000  }
0x95: {  	[tilespmem:s26], [sflag:$0x1] =	stream.indirect.gather [hbm4b:s16+s31], $0x80, s7, s31, $0xb8;
	[tilespmem:$0x1D000] =	vst v63  }
0x96: {  	s8 =	simm.s32 $0x14080  }
0x97: {  	[tilespmem:s0], [sflag:$0x2] =	stream.indirect.gather [hbm4b:s16+s31], $0x80, s8, s31, $0xb8;
	[tilespmem:$0x1D000] =	vst v63  }
0x98: {  	_ =	swait.ge [sflag:s1], $0x2800  }
0x99: {  	[sflag:s1] =	ssyncset.done $0x0  }
0x9a: {  	s9 =	simm.s32 $0x16000;
	[sflag:s1] =	ssyncadd.s32 $0xFFFFD800  }
0x9b: {  	[spmem:s2] =	stream.indirect.scatter.add.f32 [tilespmem:s26], [sflag:$0x3], $0x80, s9, s31, $0xb8;
	[tilespmem:$0x1D000] =	vst v63  }
0x9c: {  	_ =	swait.ge [sflag:s28], $0x2800  }
0x9d: {  	[sflag:s28] =	ssyncset.done $0x0  }
0x9e: {  	[sflag:s28] =	ssyncadd.s32 $0xFFFFD800  }
0x9f: {  	_ =	swait.ge [sflag:s4], $0x2800  }
0xa0: {  	[sflag:s4] =	ssyncset.done $0x0  }
0xa1: {  	s10 =	simm.s32 $0x16080;
	[sflag:s4] =	ssyncadd.s32 $0xFFFFD800  }
0xa2: {  	[spmem:s2] =	stream.indirect.scatter.add.f32 [tilespmem:s0], [sflag:$0x3], $0x80, s10, s31, $0xb8;
	[tilespmem:$0x1D000] =	vst v63  }
0xa3: {  	_ =	swait.ge [sflag:s28], $0x2800  }
0xa4: {  	s6 =	simm.s32 $0x100;
	s7 =	simm.s32 $0x800;
	[sflag:s28] =	ssyncset.done $0x0  }
.LBB2_6:
0xa5: {  	s8 =	sadd.s32 $0x14000, s6  }
0xa6: {  	[sflag:s28] =	ssyncadd.s32 $0xFFFFD800;
	s9 =	smov.u32 s7;
	s10 =	sadd.s32 $0x400, s7  }
0xa7: {  	[tilespmem:s26], [sflag:$0x1] =	stream.indirect.gather [hbm4b:s16+s31], $0x80, s8, s31, $0xb8;
	[tilespmem:$0x1D000] =	vst v63  }
0xa8: {  	p0 =	sne.s32 s7, $0x7C00;
	s7 =	sadd.s32 $0x14080, s6  }
0xa9: {  	[tilespmem:s0], [sflag:$0x2] =	stream.indirect.gather [hbm4b:s16+s31], $0x80, s7, s31, $0xb8;
	[tilespmem:$0x1D000] =	vst v63  }
0xaa: {  	_ =	swait.ge [sflag:s1], $0x2800  }
0xab: {  	[sflag:s1] =	ssyncset.done $0x0  }
0xac: {  	s7 =	sadd.s32 $0x16000, s6;
	[sflag:s1] =	ssyncadd.s32 $0xFFFFD800  }
0xad: {  	[spmem:s2] =	stream.indirect.scatter.add.f32 [tilespmem:s26], [sflag:$0x3], $0x80, s7, s31, $0xb8;
	[tilespmem:$0x1D000] =	vst v63  }
0xae: {  	_ =	swait.ge [sflag:s28], $0x2800  }
0xaf: {  	[sflag:s28] =	ssyncset.done $0x0  }
0xb0: {  	[sflag:s28] =	ssyncadd.s32 $0xFFFFD800  }
0xb1: {  	_ =	swait.ge [sflag:s4], $0x2800  }
.Ltmp2:
0xb2: {  	[sflag:s4] =	ssyncset.done $0x0;
	(pc) =	sbr.rel @p0 .LBB2_6-.Ltmp2, $4  }
0xb3: {  	s6 =	sadd.s32 $0x16080, s6;
	[sflag:s4] =	ssyncadd.s32 $0xFFFFD800  }
0xb4: {  	[spmem:s2] =	stream.indirect.scatter.add.f32 [tilespmem:s0], [sflag:$0x3], $0x80, s6, s31, $0xb8;
	[tilespmem:$0x1D000] =	vst v63  }
0xb5: {  	_ =	swait.ge [sflag:s28], $0x2800  }
0xb6: {  	s7 =	smov.u32 s10;
	s6 =	sshra.s32 s9, $0x2;
	[sflag:s28] =	ssyncset.done $0x0  }
0xb7: {  	s7 =	sadd.s32 $0x14000, s6;
	[sflag:s28] =	ssyncadd.s32 $0xFFFFD800  }
0xb8: {  	[tilespmem:s26], [sflag:$0x1] =	stream.indirect.gather [hbm4b:s16+s31], $0x80, s7, s31, $0xb8;
	[tilespmem:$0x1D000] =	vst v63  }
0xb9: {  	s9 =	sadd.s32 $0x14080, s6  }
0xba: {  	[tilespmem:s0], [sflag:$0x2] =	stream.indirect.gather [hbm4b:s16+s31], $0x80, s9, s31, $0xb8;
	[tilespmem:$0x1D000] =	vst v63  }
0xbb: {  	_ =	swait.ge [sflag:s1], $0x2800  }
0xbc: {  	[sflag:s1] =	ssyncset.done $0x0  }
0xbd: {  	s10 =	sadd.s32 $0x16000, s6;
	[sflag:s1] =	ssyncadd.s32 $0xFFFFD800  }
0xbe: {  	[spmem:s2] =	stream.indirect.scatter.add.f32 [tilespmem:s26], [sflag:$0x3], $0x80, s10, s31, $0xb8;
	[tilespmem:$0x1D000] =	vst v63  }
0xbf: {  	_ =	swait.ge [sflag:s28], $0x2800  }
0xc0: {  	[sflag:s28] =	ssyncset.done $0x0  }
0xc1: {  	[sflag:s28] =	ssyncadd.s32 $0xFFFFD800  }
0xc2: {  	_ =	swait.ge [sflag:s4], $0x2800  }
0xc3: {  	[sflag:s4] =	ssyncset.done $0x0  }
0xc4: {  	s7 =	sadd.s32 $0x16080, s6;
	[sflag:s4] =	ssyncadd.s32 $0xFFFFD800  }
0xc5: {  	[spmem:s2] =	stream.indirect.scatter.add.f32 [tilespmem:s0], [sflag:$0x3], $0x80, s7, s31, $0xb8;
	[tilespmem:$0x1D000] =	vst v63  }
0xc6: {  	_ =	swait.ge [sflag:s28], $0x2800  }
0xc7: {  	[sflag:s28] =	ssyncset.done $0x0  }
0xc8: {  	[sflag:s28] =	ssyncadd.s32 $0xFFFFD800  }
0xc9: {  	[bflag:$0x0] =	sbarrier.arrive $0xFFFF  }
0xca: {  	[tilespmem:s26], [sflag:$0x3] =	stream.linear.gather [spmem:s17], $0x2800, $0x38;
	[tilespmem:$0x1D000] =	vst v63  }
0xcb: {  	_ =	swait.ge [sflag:s28], $0x2800  }
0xcc: {  	[sflag:s28] =	ssyncset.done $0x0  }
0xcd: {  	s8 =	rddreg [dreg:$0x9];
	[sflag:s28] =	ssyncadd.s32 $0xFFFFD800  }
0xce: {  	[hbm4b:s8+s3] =	stream.linear.scatter [tilespmem:s26], [sflag:$0x3], $0x2800, $0x38;
	[tilespmem:$0x1D000] =	vst v63  }
0xcf: {  	_ =	swait.ge [sflag:s28], $0x2800  }
0xd0: {  	[sflag:s28] =	ssyncset.done $0x0  }
0xd1: {  	[sflag:s28] =	ssyncadd.s32 $0xFFFFD800  }
0xd2: {  	[tilespmem:s26], [sflag:$0x3] =	stream.linear.gather [spmem:s18], $0x2800, $0x38;
	[tilespmem:$0x1D000] =	vst v63  }
0xd3: {  	_ =	swait.ge [sflag:s28], $0x2800  }
0xd4: {  	[sflag:s28] =	ssyncset.done $0x0  }
0xd5: {  	s9 =	rddreg [dreg:$0xa];
	[sflag:s28] =	ssyncadd.s32 $0xFFFFD800  }
0xd6: {  	[hbm4b:s9+s3] =	stream.linear.scatter [tilespmem:s26], [sflag:$0x3], $0x2800, $0x38;
	[tilespmem:$0x1D000] =	vst v63  }
0xd7: {  	_ =	swait.ge [sflag:s28], $0x2800  }
0xd8: {  	[sflag:s28] =	ssyncset.done $0x0  }
0xd9: {  	[sflag:s28] =	ssyncadd.s32 $0xFFFFD800  }
0xda: {  	[tilespmem:s26], [sflag:$0x3] =	stream.linear.gather [spmem:s19], $0x2800, $0x38;
	[tilespmem:$0x1D000] =	vst v63  }
0xdb: {  	_ =	swait.ge [sflag:s28], $0x2800  }
0xdc: {  	[sflag:s28] =	ssyncset.done $0x0  }
0xdd: {  	s10 =	rddreg [dreg:$0xb];
	[sflag:s28] =	ssyncadd.s32 $0xFFFFD800  }
0xde: {  	[hbm4b:s10+s3] =	stream.linear.scatter [tilespmem:s26], [sflag:$0x3], $0x2800, $0x38;
	[tilespmem:$0x1D000] =	vst v63  }
0xdf: {  	_ =	swait.ge [sflag:s28], $0x2800  }
0xe0: {  	[sflag:s28] =	ssyncset.done $0x0  }
0xe1: {  	[sflag:s28] =	ssyncadd.s32 $0xFFFFD800  }
0xe2: {  	[tilespmem:s26], [sflag:$0x3] =	stream.linear.gather [spmem:s20], $0x2800, $0x38;
	[tilespmem:$0x1D000] =	vst v63  }
0xe3: {  	_ =	swait.ge [sflag:s28], $0x2800  }
0xe4: {  	[sflag:s28] =	ssyncset.done $0x0  }
0xe5: {  	[sflag:s28] =	ssyncadd.s32 $0xFFFFD800  }
0xe6: {  	[hbm4b:s11+s3] =	stream.linear.scatter [tilespmem:s26], [sflag:$0x3], $0x2800, $0x38;
	[tilespmem:$0x1D000] =	vst v63  }
0xe7: {  	_ =	swait.ge [sflag:s28], $0x2800  }
0xe8: {  	[sflag:s28] =	ssyncset.done $0x0  }
0xe9: {  	[sflag:s28] =	ssyncadd.s32 $0xFFFFD800  }
0xea: {  	[tilespmem:s26], [sflag:$0x3] =	stream.linear.gather [spmem:s21], $0x2800, $0x38;
	[tilespmem:$0x1D000] =	vst v63  }
0xeb: {  	_ =	swait.ge [sflag:s28], $0x2800  }
0xec: {  	[sflag:s28] =	ssyncset.done $0x0  }
0xed: {  	[sflag:s28] =	ssyncadd.s32 $0xFFFFD800  }
0xee: {  	[hbm4b:s12+s3] =	stream.linear.scatter [tilespmem:s26], [sflag:$0x3], $0x2800, $0x38;
	[tilespmem:$0x1D000] =	vst v63  }
0xef: {  	_ =	swait.ge [sflag:s28], $0x2800  }
0xf0: {  	[sflag:s28] =	ssyncset.done $0x0  }
0xf1: {  	[sflag:s28] =	ssyncadd.s32 $0xFFFFD800  }
0xf2: {  	[tilespmem:s26], [sflag:$0x3] =	stream.linear.gather [spmem:s22], $0x2800, $0x38;
	[tilespmem:$0x1D000] =	vst v63  }
0xf3: {  	_ =	swait.ge [sflag:s28], $0x2800  }
0xf4: {  	[sflag:s28] =	ssyncset.done $0x0  }
0xf5: {  	[sflag:s28] =	ssyncadd.s32 $0xFFFFD800  }
0xf6: {  	[hbm4b:s13+s3] =	stream.linear.scatter [tilespmem:s26], [sflag:$0x3], $0x2800, $0x38;
	[tilespmem:$0x1D000] =	vst v63  }
0xf7: {  	_ =	swait.ge [sflag:s28], $0x2800  }
0xf8: {  	[sflag:s28] =	ssyncset.done $0x0  }
0xf9: {  	[sflag:s28] =	ssyncadd.s32 $0xFFFFD800  }
0xfa: {  	[tilespmem:s26], [sflag:$0x3] =	stream.linear.gather [spmem:s23], $0x2800, $0x38;
	[tilespmem:$0x1D000] =	vst v63  }
0xfb: {  	_ =	swait.ge [sflag:s28], $0x2800  }
0xfc: {  	[sflag:s28] =	ssyncset.done $0x0  }
0xfd: {  	[sflag:s28] =	ssyncadd.s32 $0xFFFFD800  }
0xfe: {  	[hbm4b:s14+s3] =	stream.linear.scatter [tilespmem:s26], [sflag:$0x3], $0x2800, $0x38;
	[tilespmem:$0x1D000] =	vst v63  }
0xff: {  	_ =	swait.ge [sflag:s28], $0x2800  }
0x100: {  	[sflag:s28] =	ssyncset.done $0x0  }
0x101: {  	[sflag:s28] =	ssyncadd.s32 $0xFFFFD800  }
0x102: {  	[tilespmem:s26], [sflag:$0x3] =	stream.linear.gather [spmem:s24], $0x2800, $0x38;
	[tilespmem:$0x1D000] =	vst v63  }
0x103: {  	s5 =	sadd.s32 $0x1, s5;
	_ =	swait.ge [sflag:s28], $0x2800  }
0x104: {  	p0 =	sne.s32 s5, s25;
	[sflag:s28] =	ssyncset.done $0x0  }
.Ltmp3:
0x105: {  	[sflag:s28] =	ssyncadd.s32 $0xFFFFD800;
	(pc) =	sbr.rel @p0 .LBB2_1-.Ltmp3, $4  }
0x106: {  	[hbm4b:s15+s3] =	stream.linear.scatter [tilespmem:s26], [sflag:$0x3], $0x2800, $0x38;
	[tilespmem:$0x1D000] =	vst v63  }
0x107: {  	_ =	swait.ge [sflag:s28], $0x2800  }
0x108: {  	[sflag:s28] =	ssyncset.done $0x0  }
0x109: {  	[sflag:s28] =	ssyncadd.s32 $0xFFFFD800  }
0x10a: {  	_ =	sfence.sel $0x180000  }
0x10b: {  	[bflag:$0x0] =	sbarrier.arrive $0xFFFF  }
0x10c: {  	_ =	strace $0x9000004A  }
0x10d: {  	s0 =	stileid.u32;
	[bflag:$0x2] =	sbarrier.arrive $0xFFFF  }
0x10e: {  	p0 =	sne.s32 s0, $0x0;
	s0 =	rddreg [dreg:$0x4]  }
0x10f: {  	s0 =	sadd.s32 @!p0 $0x100000, s0  }
0x110: {  	[sflag:s0] =	ssyncadd.tile.s32 @!p0 $0x1;
	_ =	shalt  }
.Lfunc_end2:
_tile_overlayer_lowered:
.L_overlay_start_2:
0x111: {  	(tag) =	ssettag $0x2  }
0x112: {  	s0 =	rddreg [dreg:$0x0];
	s2 =	stileid.u32  }
0x113: {  	s1 =	rddreg [dreg:$0x1];
	p0 =	sne.s32 s2, $0x0  }
0x114: {  	s3 =	rddreg [dreg:$0x2];
	[bflag:$0x3] =	sbarrier.arrive $0xFFFF;
	s2 =	simm.s32 @!p0 $0x1C03  }
0x115: {  	[timem:s3], [sflag:s2] =	dma.local @!p0 [hbm:s0], s1  }
0x116: {  	s0 =	simm.s32 @!p0 $0x3  }
0x117: {  	_ =	swait.ge @!p0 [sflag:s0], s1  }
0x118: {  	s1 =	ssub.s32 @!p0 $0x0, s1;
	[sflag:s0] =	ssyncset.done @!p0 $0x0  }
0x119: {  	[sflag:s0] =	ssyncadd.s32 @!p0 s1  }
0x11a: {  	[bflag:$0x3] =	sbarrier.arrive $0xFFFF  }
0x11b: {  	_ =	shalt  }

</sc_bundles>
